<compile_context>
chip_gen: v7x
topology: tpu7x:2x2x1
jax: 0.10.2.dev20260603
libtpu: 0.0.44.dev20260713+nightly
codegen_flags: <defaults>
</compile_context>

<pallas_src>
import functools

import jax
import jax.numpy as jnp
import numpy as np
from jax import lax
from jax.experimental import pallas as pl
from jax.experimental.pallas import tpu as pltpu
from jax.experimental.pallas import tpu_sc as plsc

M = 256
L = 128
N = M * L
DT = 128
DH = 256
DM = 128
H = 4
E = 1024
MB = 32
TB = MB * L
GRID = M // MB
NW = 32
RPW = N // NW
CH = 512
K65 = 72


def _emb_gather_body(table_hbm, idx_hbm, out_hbm, idx_v, rows_v, sem):
    wid = lax.axis_index("s") * 2 + lax.axis_index("c")
    base = wid * RPW
    for c in range(RPW // CH):
        pltpu.sync_copy(idx_hbm.at[pl.ds(base + c * CH, CH)], idx_v)
        pltpu.async_copy(table_hbm.at[idx_v], rows_v, sem).wait()
        pltpu.sync_copy(rows_v, out_hbm.at[pl.ds(base + c * CH, CH)])


def _emb_gather(table, ids_flat):
    mesh = plsc.VectorSubcoreMesh(core_axis_name="c", subcore_axis_name="s")
    k = pl.kernel(
        _emb_gather_body,
        mesh=mesh,
        out_type=jax.ShapeDtypeStruct((N, DT), jnp.float32),
        scratch_types=[
            pltpu.VMEM((CH,), jnp.int32),
            pltpu.VMEM((CH, DT), jnp.float32),
            pltpu.SemaphoreType.DMA,
        ],
    )
    return k(table, ids_flat)


def _rownorm(x):
    return x / (jnp.sqrt(jnp.sum(x * x, axis=-1, keepdims=True)) + 1e-9)


def _leaky(x):
    return jnp.where(x > 0, x, 0.2 * x)


def _elu(x):
    return jnp.where(x > 0, x, jnp.exp(x) - 1.0)


def _shift_down(a, o):
    return jnp.concatenate([jnp.zeros((o, a.shape[1]), a.dtype), a[: a.shape[0] - o]], axis=0)


def _shift_up(a, o):
    return jnp.concatenate([a[o:], jnp.zeros((o, a.shape[1]), a.dtype)], axis=0)


def _np_e(D):
    return (np.arange(D)[None, :] // (D // H) == np.arange(H)[:, None]).astype(np.float32)


_E64 = _np_e(DH)
_SUM24 = np.tile(_E64, (6, 1))
_ESEL = np.zeros((6 * 24, DH), np.float32)
for _g in range(6):
    _ESEL[24 * _g + 4 * _g: 24 * _g + 4 * _g + 4] = _E64
_TED = np.zeros((8, 24), np.float32)
for _g in range(6):
    for _h in range(H):
        _TED[4 + _h, 4 * _g + _h] = 1.0
_OFFS = (1, -1, 2, -2, 3, -3)
_ALO = np.zeros((8, 24), np.int32)
_AHI = np.zeros((8, 24), np.int32)
for _g, _o in enumerate(_OFFS):
    _ALO[:, 4 * _g: 4 * _g + 4] = _o if _o > 0 else 0
    _AHI[:, 4 * _g: 4 * _g + 4] = L if _o > 0 else L + _o


def _token_body(xg, attr, pos, seg, lng, lnb, W1, b1, WAsAd1, B6r1,
                W2, b2, WAsAd2, B6r2, WkAq, Wv, posw, Wo,
                WencA, WencB, benc, ln2g, ln2b, E64, ted, alo, ahi, sum24, esel,
                enc_out):
    i0 = lax.broadcasted_iota(jnp.int32, (TB, 1), 0)
    lidx = i0 % L

    P = (lidx == lax.broadcasted_iota(jnp.int32, (TB, L), 1)).astype(jnp.float32)
    Mseg = ((i0 // L) == lax.broadcasted_iota(jnp.int32, (TB, MB), 1)).astype(jnp.float32)
    role = jnp.clip((attr[:, 0:1] * 4.0).astype(jnp.int32), 0, 3)
    seg_oh = (role == lax.broadcasted_iota(jnp.int32, (MB, 4), 1)).astype(jnp.float32)
    x = xg[...] + jnp.dot(P, pos[...]) + jnp.dot(Mseg, jnp.dot(seg_oh, seg[...]))
    mu = jnp.mean(x, axis=-1, keepdims=True)
    var = jnp.mean((x - mu) ** 2, axis=-1, keepdims=True)
    x = (x - mu) / jnp.sqrt(var + 1e-5) * lng[0:1, :] + lnb[0:1, :]

    Ee = E64[...]
    mk6 = (lidx >= alo[0:1, :]) & (lidx < ahi[0:1, :])
    esl = esel[...]

    def band_gat(xin, W, b, WAsAd, B6r, residual, lowp):
        xi = xin.astype(jnp.bfloat16) if lowp else xin
        h = jnp.dot(xi, W[...], preferred_element_type=jnp.float32)
        esed = jnp.dot(xin, WAsAd[...])
        es = esed[:, 0:4]
        ed6 = jnp.dot(esed, ted[...])
        es6 = jnp.concatenate(
            [_shift_down(es, o) if o > 0 else _shift_up(es, -o) for o in _OFFS],
            axis=1)
        ex6 = jnp.where(mk6, jnp.exp(_leaky(es6 + ed6 + B6r[0:1, :])), 0.0)
        den = jnp.dot(ex6, sum24[...])
        hb = h.astype(jnp.bfloat16)
        ex6b = ex6.astype(jnp.bfloat16)
        out = jnp.zeros((TB, h.shape[1]), jnp.bfloat16)
        for g, o in enumerate(_OFFS):
            hs = _shift_down(hb, o) if o > 0 else _shift_up(hb, -o)
            exf = jnp.dot(ex6b, esl[24 * g:24 * (g + 1), :],
                          preferred_element_type=jnp.float32)
            out = out + exf.astype(jnp.bfloat16) * hs
        out = out.astype(jnp.float32) / (den + 1e-9) + b[0:1, :]
        if residual:
            out = out + xin
        return _rownorm(out)

    x = _elu(band_gat(x, W1, b1, WAsAd1, B6r1, False, False))
    x = _elu(band_gat(x, W2, b2, WAsAd2, B6r2, True, True))

    vv = jnp.dot(x.astype(jnp.bfloat16), Wv[...], preferred_element_type=jnp.float32)
    sc = jnp.dot(x, WkAq[...]) + (lidx.astype(jnp.float32) * (1.0 / L)) * posw[0:1, :]
    MsegT = (lax.broadcasted_iota(jnp.int32, (MB, TB), 0)
             == (lax.broadcasted_iota(jnp.int32, (MB, TB), 1) // L)).astype(jnp.float32)
    ex = jnp.exp(sc)
    den = jnp.dot(Mseg, jnp.dot(MsegT, ex))
    al = ex / den
    msg = jnp.dot(MsegT, jnp.dot(al, Ee) * vv)
    msg = jnp.dot(msg, Wo[...], preferred_element_type=jnp.float32)
    enc = jnp.dot(msg, WencA[...]) + jnp.dot(attr[...], WencB[...]) + benc[0:1, :]
    mu = jnp.mean(enc, axis=-1, keepdims=True)
    var = jnp.mean((enc - mu) ** 2, axis=-1, keepdims=True)
    enc = (enc - mu) / jnp.sqrt(var + 1e-5) * ln2g[0:1, :] + ln2b[0:1, :]
    enc_out[...] = jnp.maximum(enc, 0.0)


def _token_stage(xg, attr, cw, interpret=False):
    full = lambda a: pl.BlockSpec(a.shape, lambda i: tuple(0 for _ in a.shape))
    ins = [
        pl.BlockSpec((TB, DT), lambda i: (i, 0)),
        pl.BlockSpec((MB, 2), lambda i: (i, 0)),
    ] + [full(a) for a in cw]
    return pl.pallas_call(
        _token_body,
        grid=(GRID,),
        in_specs=ins,
        out_specs=pl.BlockSpec((MB, DM), lambda i: (i, 0)),
        out_shape=jax.ShapeDtypeStruct((M, DM), jnp.float32),
        interpret=interpret,
    )(xg, attr, *cw)


def _msg_body(enc, msrc_c, mdst_c, ei8, relW1, relW2,
              MW1, Mb1, MAs1, MAd1, MW2, Mb2, MAs2, MAd2, E32, y_out):
    iota_m = lax.broadcasted_iota(jnp.int32, (E, M), 1)
    S1h = (msrc_c[...] == iota_m).astype(jnp.float32)
    D1h = (mdst_c[...] == iota_m).astype(jnp.float32)
    D1hT = (lax.broadcasted_iota(jnp.int32, (M, E), 0) == ei8[1:2, :]).astype(jnp.float32)
    rel = jnp.clip(mdst_c[...] - msrc_c[...], -32, 32) + 32
    R1h = (rel == lax.broadcasted_iota(jnp.int32, (E, K65), 1)).astype(jnp.float32)
    Ee = E32[...]

    def msg_gat(y, W, b, As, Ad, relW, residual):
        h = jnp.dot(y, W[...], preferred_element_type=jnp.float32)
        es_e = jnp.dot(S1h, jnp.dot(h, As[...]))
        ed_e = jnp.dot(D1h, jnp.dot(h, Ad[...]))
        lg = _leaky(es_e + ed_e + jnp.dot(R1h, relW[...]))
        exf = jnp.dot(jnp.exp(lg), Ee)
        hsrc = jnp.dot(S1h, h)
        num = jnp.dot(D1hT, exf * hsrc)
        den = jnp.dot(D1hT, exf)
        out = num / (den + 1e-9) + b[0:1, :]
        if residual:
            out = out + y
        return _rownorm(out)

    y = _elu(msg_gat(enc[...], MW1, Mb1, MAs1, MAd1, relW1, False))
    y_out[...] = msg_gat(y, MW2, Mb2, MAs2, MAd2, relW2, True)


def _msg_stage(enc, msrc_c, mdst_c, ei8, cw, interpret=False):
    return pl.pallas_call(
        _msg_body,
        out_shape=jax.ShapeDtypeStruct((M, DM), jnp.float32),
        interpret=interpret,
    )(enc, msrc_c, mdst_c, ei8, *cw)


def _eyerep(D):
    return jnp.repeat(jnp.eye(H, dtype=jnp.float32), D // H, axis=0)


def _blockdiag(a, D):
    return a.reshape(D, 1) * _eyerep(D)


def _r8(v):
    return jnp.asarray(v, jnp.float32).reshape(1, -1)


def _pack_token_weights(p):
    B6r1 = _r8((p['etab'] @ p['We1']).reshape(1, 24))
    B6r2 = _r8((p['etab'] @ p['We2']).reshape(1, 24))
    AsAd1 = jnp.concatenate([_blockdiag(p['as1'], DH), _blockdiag(p['ad1'], DH)], axis=1)
    AsAd2 = jnp.concatenate([_blockdiag(p['as2'], DH), _blockdiag(p['ad2'], DH)], axis=1)
    WkAq = p['Wk'] @ _blockdiag(p['q'], DH)
    return [
        p['pos_emb'][:L], p['seg_emb'], _r8(p['ln_g']), _r8(p['ln_b']),
        p['W1'], _r8(p['b1']), p['W1'] @ AsAd1, B6r1,
        p['W2'].astype(jnp.bfloat16), _r8(p['b2']), p['W2'] @ AsAd2, B6r2,
        WkAq, p['Wv'].astype(jnp.bfloat16), _r8(p['posw']),
        p['Wo'], p['Wenc'][:DM], p['Wenc'][DM:], _r8(p['benc']),
        _r8(p['ln2_g']), _r8(p['ln2_b']),
        jnp.asarray(_E64), jnp.asarray(_TED), jnp.asarray(_ALO),
        jnp.asarray(_AHI), jnp.asarray(_SUM24),
        jnp.asarray(_ESEL).astype(jnp.bfloat16),
    ]


def _pack_msg_weights(p):
    E32 = _eyerep(DM).T
    relW1 = jnp.pad(p['relpos'] @ p['MWe1'], ((0, K65 - 65), (0, 0)))
    relW2 = jnp.pad(p['relpos'] @ p['MWe2'], ((0, K65 - 65), (0, 0)))
    return [relW1, relW2,
            p['MW1'], _r8(p['Mb1']), _blockdiag(p['Mas1'], DM), _blockdiag(p['Mad1'], DM),
            p['MW2'], _r8(p['Mb2']), _blockdiag(p['Mas2'], DM), _blockdiag(p['Mad2'], DM),
            E32]


def kernel(token_ids, lengths, message_edge_index, message_node_attr,
           tok_src, tok_dst, tok_typ, params):
    p = params
    ids_flat = token_ids.reshape(-1).astype(jnp.int32)
    xg = _emb_gather(p['tok_emb'], ids_flat)
    enc = _token_stage(xg, message_node_attr, _pack_token_weights(p))
    mei = message_edge_index.astype(jnp.int32)
    msrc_c = mei[0].reshape(E, 1)
    mdst_c = mei[1].reshape(E, 1)
    ei8 = jnp.pad(mei, ((0, 6), (0, 0)))
    y = _msg_stage(enc, msrc_c, mdst_c, ei8, _pack_msg_weights(p))
    return y

# --- scband reference (transcript-rebuilt; emitter-appended) ---
"""Pipeline reference for scband-hierarchical-conversation-gnn-5549097747001 (READ-ONLY COPY).

The authoritative reference and input builder live on the scoring server;
editing this copy changes nothing except your own understanding.
"""

import jax, jax.numpy as jnp
import numpy as np

M = 256
L = 128
V = 30522
DT = 128
DH = 256
DM = 128
H = 4
WIN = (1, 2, 3)
EMSG = 1024
MAXP = 512


def _build_token_edges():
    srcs = []
    dsts = []
    typs = []
    base = (np.arange(M) * L)[:, None]
    for t, o in enumerate(WIN):
        s = (np.arange(L - o)[None, :] + base).ravel()
        d = s + o
        srcs.append(s); dsts.append(d); typs.append(np.full(s.shape, 2 * t))
        srcs.append(d); dsts.append(s); typs.append(np.full(s.shape, 2 * t + 1))
    return (np.concatenate(srcs).astype(np.int32),
            np.concatenate(dsts).astype(np.int32),
            np.concatenate(typs).astype(np.int32))


def _layer_norm(x, g, b):
    mu = x.mean(-1, keepdims=True)
    v = ((x - mu) ** 2).mean(-1, keepdims=True)
    return (x - mu) / jnp.sqrt(v + 1e-5) * g + b


def _gat(x, src, dst, eattr, W, b, a_s, a_d, W_e, residual, N):
    Hh, Dh = a_s.shape
    h = (x @ W).reshape(N, Hh, Dh)
    es = jnp.einsum('nhd,hd->nh', h, a_s)
    ed = jnp.einsum('nhd,hd->nh', h, a_d)
    logits = jax.nn.leaky_relu(es[src] + ed[dst] + eattr @ W_e, 0.2)
    mx = jax.ops.segment_max(logits, dst, num_segments=N)
    ex = jnp.exp(logits - mx[dst])
    den = jax.ops.segment_sum(ex, dst, num_segments=N)
    alpha = ex / (den[dst] + 1e-9)
    out = jax.ops.segment_sum(h[src] * alpha[:, :, None], dst, num_segments=N).reshape(N, Hh * Dh) + b
    if residual:
        out = out + x
    out = out / (jnp.linalg.norm(out, axis=-1, keepdims=True) + 1e-9)
    return out


def setup_inputs(seed: int = 0):
    key = jax.random.key(seed)
    ks = jax.random.split(key, 48)
    src, dst, typ = _build_token_edges()
    n = lambda i, shape: jax.random.normal(ks[i], shape, dtype=jnp.float32) * 0.05
    params = {
        'tok_emb': n(3, (V, DT)), 'pos_emb': n(4, (MAXP, DT)), 'seg_emb': n(5, (4, DT)),
        'ln_g': jnp.ones((DT,)), 'ln_b': jnp.zeros((DT,)),
        'etab': n(6, (6, 64)),
        'W1': n(7, (DT, DH)), 'b1': jnp.zeros((DH,)), 'as1': n(8, (H, DH // H)), 'ad1': n(9, (H, DH // H)), 'We1': n(10, (64, H)),
        'W2': n(11, (DH, DH)), 'b2': jnp.zeros((DH,)), 'as2': n(12, (H, DH // H)), 'ad2': n(13, (H, DH // H)), 'We2': n(14, (64, H)),
        'Wk': n(15, (DH, DH)), 'Wv': n(16, (DH, DH)), 'q': n(17, (H, DH // H)), 'posw': n(18, (H,)), 'Wo': n(19, (DH, DM)),
        'Wenc': n(20, (DM + 2, DM)), 'benc': jnp.zeros((DM,)), 'ln2_g': jnp.ones((DM,)), 'ln2_b': jnp.zeros((DM,)),
        'relpos': n(21, (65, 64)),
        'MW1': n(22, (DM, DM)), 'Mb1': jnp.zeros((DM,)), 'Mas1': n(23, (H, DM // H)), 'Mad1': n(24, (H, DM // H)), 'MWe1': n(25, (64, H)),
        'MW2': n(26, (DM, DM)), 'Mb2': jnp.zeros((DM,)), 'Mas2': n(27, (H, DM // H)), 'Mad2': n(28, (H, DM // H)), 'MWe2': n(29, (64, H)),
    }
    return {
        'token_ids': jax.random.randint(ks[0], (M, L), 1, V),
        'lengths': jnp.full((M,), L, dtype=jnp.int32),
        'message_edge_index': jax.random.randint(ks[1], (2, EMSG), 0, M),
        'message_node_attr': jax.random.uniform(ks[2], (M, 2), dtype=jnp.float32),
        'tok_src': jnp.asarray(src), 'tok_dst': jnp.asarray(dst), 'tok_typ': jnp.asarray(typ),
        'params': params,
    }


def reference(token_ids, lengths, message_edge_index, message_node_attr, tok_src, tok_dst, tok_typ, params):
    p = params
    N = M * L
    tok_e = p['tok_emb'][token_ids]
    pos_e = p['pos_emb'][jnp.arange(L)][None, :, :]
    role = jnp.clip((jax.lax.stop_gradient(message_node_attr[:, 0]) * 4).astype(jnp.int32), 0, 3)
    seg_e = p['seg_emb'][role][:, None, :]
    x = _layer_norm(tok_e + pos_e + seg_e, p['ln_g'], p['ln_b']).reshape(N, DT)
    eattr = p['etab'][tok_typ]
    x = jax.nn.elu(_gat(x, tok_src, tok_dst, eattr, p['W1'], p['b1'], p['as1'], p['ad1'], p['We1'], False, N))
    x = jax.nn.elu(_gat(x, tok_src, tok_dst, eattr, p['W2'], p['b2'], p['as2'], p['ad2'], p['We2'], True, N))
    toks = x.reshape(M, L, DH)
    kk = (toks @ p['Wk']).reshape(M, L, H, DH // H)
    vv = (toks @ p['Wv']).reshape(M, L, H, DH // H)
    posn = (jnp.arange(L) / L).astype(jnp.float32)
    sc = jnp.einsum('mlhd,hd->mlh', kk, p['q']) / jnp.sqrt(1.0 * (DH // H)) + posn[None, :, None] * p['posw'][None, None, :]
    al = jax.nn.softmax(sc, axis=1)
    msg = jnp.einsum('mlh,mlhd->mhd', al, vv).reshape(M, DH) @ p['Wo']
    enc = jnp.concatenate([msg, message_node_attr], axis=-1) @ p['Wenc'] + p['benc']
    enc = jax.nn.relu(_layer_norm(enc, p['ln2_g'], p['ln2_b']))
    msrc, mdst = message_edge_index[0], message_edge_index[1]
    meattr = p['relpos'][jnp.clip(mdst - msrc, -32, 32) + 32]
    y = jax.nn.elu(_gat(enc, msrc, mdst, meattr, p['MW1'], p['Mb1'], p['Mas1'], p['Mad1'], p['MWe1'], False, M))
    y = _gat(y, msrc, mdst, meattr, p['MW2'], p['Mb2'], p['Mas2'], p['Mad2'], p['MWe2'], True, M)
    return y

if __name__ == "__main__":
    import jax
    _d = setup_inputs()
    print(jax.jit(kernel)(*tuple(_d.values())))

</pallas_src>

<mosaic_0001>
#map = affine_map<(d0, d1) -> (0, 0)>
#map1 = affine_map<(d0, d1) -> (0)>
module attributes {stable_mosaic.version = 14 : i64} {
  func.func @_emb_gather_body(%arg0: i32, %arg1: i32, %arg2: memref<30522x128xf32, #tpu.memory_space<hbm>>, %arg3: memref<32768xi32, #tpu.memory_space<hbm>>, %arg4: memref<32768x128xf32, #tpu.memory_space<hbm>>, %arg5: memref<512xi32, #tpu.memory_space<vmem>>, %arg6: memref<512x128xf32, #tpu.memory_space<vmem>>, %arg7: memref<!tpu.dma_semaphore, #tpu.memory_space<semaphore_mem>>) attributes {dimension_semantics = [#tpu.dimension_semantics<core_parallel>, #tpu.dimension_semantics<subcore_parallel>], iteration_bounds = array<i64: 2, 16>, scalar_prefetch = 0 : i64, scratch_operands = 3 : i64, tpu.core_type = #tpu.core_type<sc_vector_subcore>, window_params = [{transform_indices = #map}, {transform_indices = #map1}, {transform_indices = #map}]} {
    %mul3A = arith.constant 2 : i32
    %mul3A_0 = arith.muli %arg1, %mul3A : i32
    %add3A = arith.addi %mul3A_0, %arg0 : i32
    %mul3A_1 = arith.constant 1024 : i32
    %mul3A_2 = arith.muli %add3A, %mul3A_1 : i32
    %add3A_3 = arith.constant 0 : i32
    %add3A_4 = arith.addi %mul3A_2, %add3A_3 : i32
    "tpu.region"() ({
      %run_scoped3A = tpu.sem_alloc : memref<!tpu.dma_semaphore, #tpu.memory_space<semaphore_mem>>
      %dma_start3A_21 = tpu.memref_slice %arg3[%add3A_4] : memref<32768xi32, #tpu.memory_space<hbm>> -> memref<512xi32, #tpu.memory_space<hbm>>
      %dma_start3A_22 = tpu.memref_slice %arg3[%add3A_4] : memref<32768xi32, #tpu.memory_space<hbm>> -> memref<512xi32, #tpu.memory_space<hbm>>
      tpu.enqueue_dma source(%dma_start3A_22 : memref<512xi32, #tpu.memory_space<hbm>>) target(%arg5 : memref<512xi32, #tpu.memory_space<vmem>>) target_semaphore(%run_scoped3A : memref<!tpu.dma_semaphore, #tpu.memory_space<semaphore_mem>>)
      %dma_wait3A_23 = tpu.memref_slice %arg3[%add3A_4] : memref<32768xi32, #tpu.memory_space<hbm>> -> memref<512xi32, #tpu.memory_space<hbm>>
      %dma_wait3A_24 = tpu.memref_slice %arg3[%add3A_4] : memref<32768xi32, #tpu.memory_space<hbm>> -> memref<512xi32, #tpu.memory_space<hbm>>
      tpu.wait_dma2 semaphore(%run_scoped3A : memref<!tpu.dma_semaphore, #tpu.memory_space<semaphore_mem>>) src(%dma_wait3A_24 : memref<512xi32, #tpu.memory_space<hbm>>) dst(%arg5 : memref<512xi32, #tpu.memory_space<vmem>>)
      tpu.yield
    }) : () -> ()
    %dma_start3A = arith.constant 0 : i32
    %dma_start3A_5 = arith.constant 0 : i32
    %dma_start3A_6 = tpu.memref_slice %arg2[%dma_start3A, %dma_start3A_5] : memref<30522x128xf32, #tpu.memory_space<hbm>> -> memref<30522x128xf32, #tpu.memory_space<hbm>>
    tpu.enqueue_indirect_dma source(%dma_start3A_6 : memref<30522x128xf32, #tpu.memory_space<hbm>>) target(%arg6 : memref<512x128xf32, #tpu.memory_space<vmem>>) offsets(%arg5 : memref<512xi32, #tpu.memory_space<vmem>>) semaphore(%arg7 : memref<!tpu.dma_semaphore, #tpu.memory_space<semaphore_mem>>)
    %dma_wait3A = arith.constant 0 : i32
    %dma_wait3A_7 = arith.constant 0 : i32
    %dma_wait3A_8 = tpu.memref_slice %arg2[%dma_wait3A, %dma_wait3A_7] : memref<30522x128xf32, #tpu.memory_space<hbm>> -> memref<30522x128xf32, #tpu.memory_space<hbm>>
    tpu.wait_indirect_dma semaphore(%arg7 : memref<!tpu.dma_semaphore, #tpu.memory_space<semaphore_mem>>) src(%dma_wait3A_8 : memref<30522x128xf32, #tpu.memory_space<hbm>>) dst(%arg6 : memref<512x128xf32, #tpu.memory_space<vmem>>)
    %add3A_9 = arith.constant 0 : i32
    %add3A_10 = arith.addi %mul3A_2, %add3A_9 : i32
    "tpu.region"() ({
      %run_scoped3A = tpu.sem_alloc : memref<!tpu.dma_semaphore, #tpu.memory_space<semaphore_mem>>
      %dma_start3A_21 = arith.constant 0 : i32
      %dma_start3A_22 = tpu.memref_slice %arg4[%add3A_10, %dma_start3A_21] : memref<32768x128xf32, #tpu.memory_space<hbm>> -> memref<512x128xf32, #tpu.memory_space<hbm>>
      %dma_start3A_23 = arith.constant 0 : i32
      %dma_start3A_24 = tpu.memref_slice %arg4[%add3A_10, %dma_start3A_23] : memref<32768x128xf32, #tpu.memory_space<hbm>> -> memref<512x128xf32, #tpu.memory_space<hbm>>
      tpu.enqueue_dma source(%arg6 : memref<512x128xf32, #tpu.memory_space<vmem>>) target(%dma_start3A_24 : memref<512x128xf32, #tpu.memory_space<hbm>>) target_semaphore(%run_scoped3A : memref<!tpu.dma_semaphore, #tpu.memory_space<semaphore_mem>>)
      %dma_wait3A_25 = arith.constant 0 : i32
      %dma_wait3A_26 = tpu.memref_slice %arg4[%add3A_10, %dma_wait3A_25] : memref<32768x128xf32, #tpu.memory_space<hbm>> -> memref<512x128xf32, #tpu.memory_space<hbm>>
      %dma_wait3A_27 = arith.constant 0 : i32
      %dma_wait3A_28 = tpu.memref_slice %arg4[%add3A_10, %dma_wait3A_27] : memref<32768x128xf32, #tpu.memory_space<hbm>> -> memref<512x128xf32, #tpu.memory_space<hbm>>
      tpu.wait_dma2 semaphore(%run_scoped3A : memref<!tpu.dma_semaphore, #tpu.memory_space<semaphore_mem>>) src(%arg6 : memref<512x128xf32, #tpu.memory_space<vmem>>) dst(%dma_wait3A_28 : memref<512x128xf32, #tpu.memory_space<hbm>>)
      tpu.yield
    }) : () -> ()
    %add3A_11 = arith.constant 512 : i32
    %add3A_12 = arith.addi %mul3A_2, %add3A_11 : i32
    "tpu.region"() ({
      %run_scoped3A = tpu.sem_alloc : memref<!tpu.dma_semaphore, #tpu.memory_space<semaphore_mem>>
      %dma_start3A_21 = tpu.memref_slice %arg3[%add3A_12] : memref<32768xi32, #tpu.memory_space<hbm>> -> memref<512xi32, #tpu.memory_space<hbm>>
      %dma_start3A_22 = tpu.memref_slice %arg3[%add3A_12] : memref<32768xi32, #tpu.memory_space<hbm>> -> memref<512xi32, #tpu.memory_space<hbm>>
      tpu.enqueue_dma source(%dma_start3A_22 : memref<512xi32, #tpu.memory_space<hbm>>) target(%arg5 : memref<512xi32, #tpu.memory_space<vmem>>) target_semaphore(%run_scoped3A : memref<!tpu.dma_semaphore, #tpu.memory_space<semaphore_mem>>)
      %dma_wait3A_23 = tpu.memref_slice %arg3[%add3A_12] : memref<32768xi32, #tpu.memory_space<hbm>> -> memref<512xi32, #tpu.memory_space<hbm>>
      %dma_wait3A_24 = tpu.memref_slice %arg3[%add3A_12] : memref<32768xi32, #tpu.memory_space<hbm>> -> memref<512xi32, #tpu.memory_space<hbm>>
      tpu.wait_dma2 semaphore(%run_scoped3A : memref<!tpu.dma_semaphore, #tpu.memory_space<semaphore_mem>>) src(%dma_wait3A_24 : memref<512xi32, #tpu.memory_space<hbm>>) dst(%arg5 : memref<512xi32, #tpu.memory_space<vmem>>)
      tpu.yield
    }) : () -> ()
    %dma_start3A_13 = arith.constant 0 : i32
    %dma_start3A_14 = arith.constant 0 : i32
    %dma_start3A_15 = tpu.memref_slice %arg2[%dma_start3A_13, %dma_start3A_14] : memref<30522x128xf32, #tpu.memory_space<hbm>> -> memref<30522x128xf32, #tpu.memory_space<hbm>>
    tpu.enqueue_indirect_dma source(%dma_start3A_15 : memref<30522x128xf32, #tpu.memory_space<hbm>>) target(%arg6 : memref<512x128xf32, #tpu.memory_space<vmem>>) offsets(%arg5 : memref<512xi32, #tpu.memory_space<vmem>>) semaphore(%arg7 : memref<!tpu.dma_semaphore, #tpu.memory_space<semaphore_mem>>)
    %dma_wait3A_16 = arith.constant 0 : i32
    %dma_wait3A_17 = arith.constant 0 : i32
    %dma_wait3A_18 = tpu.memref_slice %arg2[%dma_wait3A_16, %dma_wait3A_17] : memref<30522x128xf32, #tpu.memory_space<hbm>> -> memref<30522x128xf32, #tpu.memory_space<hbm>>
    tpu.wait_indirect_dma semaphore(%arg7 : memref<!tpu.dma_semaphore, #tpu.memory_space<semaphore_mem>>) src(%dma_wait3A_18 : memref<30522x128xf32, #tpu.memory_space<hbm>>) dst(%arg6 : memref<512x128xf32, #tpu.memory_space<vmem>>)
    %add3A_19 = arith.constant 512 : i32
    %add3A_20 = arith.addi %mul3A_2, %add3A_19 : i32
    "tpu.region"() ({
      %run_scoped3A = tpu.sem_alloc : memref<!tpu.dma_semaphore, #tpu.memory_space<semaphore_mem>>
      %dma_start3A_21 = arith.constant 0 : i32
      %dma_start3A_22 = tpu.memref_slice %arg4[%add3A_20, %dma_start3A_21] : memref<32768x128xf32, #tpu.memory_space<hbm>> -> memref<512x128xf32, #tpu.memory_space<hbm>>
      %dma_start3A_23 = arith.constant 0 : i32
      %dma_start3A_24 = tpu.memref_slice %arg4[%add3A_20, %dma_start3A_23] : memref<32768x128xf32, #tpu.memory_space<hbm>> -> memref<512x128xf32, #tpu.memory_space<hbm>>
      tpu.enqueue_dma source(%arg6 : memref<512x128xf32, #tpu.memory_space<vmem>>) target(%dma_start3A_24 : memref<512x128xf32, #tpu.memory_space<hbm>>) target_semaphore(%run_scoped3A : memref<!tpu.dma_semaphore, #tpu.memory_space<semaphore_mem>>)
      %dma_wait3A_25 = arith.constant 0 : i32
      %dma_wait3A_26 = tpu.memref_slice %arg4[%add3A_20, %dma_wait3A_25] : memref<32768x128xf32, #tpu.memory_space<hbm>> -> memref<512x128xf32, #tpu.memory_space<hbm>>
      %dma_wait3A_27 = arith.constant 0 : i32
      %dma_wait3A_28 = tpu.memref_slice %arg4[%add3A_20, %dma_wait3A_27] : memref<32768x128xf32, #tpu.memory_space<hbm>> -> memref<512x128xf32, #tpu.memory_space<hbm>>
      tpu.wait_dma2 semaphore(%run_scoped3A : memref<!tpu.dma_semaphore, #tpu.memory_space<semaphore_mem>>) src(%arg6 : memref<512x128xf32, #tpu.memory_space<vmem>>) dst(%dma_wait3A_28 : memref<512x128xf32, #tpu.memory_space<hbm>>)
      tpu.yield
    }) : () -> ()
    return
  }
}

module attributes {stable_mosaic.version = 14 : i64} {
  func.func @_msg_body(%arg0: memref<256x128xf32, #tpu.memory_space<vmem>>, %arg1: memref<1024x1xi32, #tpu.memory_space<vmem>>, %arg2: memref<1024x1xi32, #tpu.memory_space<vmem>>, %arg3: memref<8x1024xi32, #tpu.memory_space<vmem>>, %arg4: memref<72x4xf32, #tpu.memory_space<vmem>>, %arg5: memref<72x4xf32, #tpu.memory_space<vmem>>, %arg6: memref<128x128xf32, #tpu.memory_space<vmem>>, %arg7: memref<1x128xf32, #tpu.memory_space<vmem>>, %arg8: memref<128x4xf32, #tpu.memory_space<vmem>>, %arg9: memref<128x4xf32, #tpu.memory_space<vmem>>, %arg10: memref<128x128xf32, #tpu.memory_space<vmem>>, %arg11: memref<1x128xf32, #tpu.memory_space<vmem>>, %arg12: memref<128x4xf32, #tpu.memory_space<vmem>>, %arg13: memref<128x4xf32, #tpu.memory_space<vmem>>, %arg14: memref<4x128xf32, #tpu.memory_space<vmem>>, %arg15: memref<256x128xf32, #tpu.memory_space<vmem>>) attributes {dimension_semantics = [], scalar_prefetch = 0 : i64, scratch_operands = 0 : i64, tpu.core_type = #tpu.core_type<tc>} {
    %iota3A = tpu.iota {dimensions = array<i32: 1>} : vector<1024x256xi32>
    %get3A = arith.constant 0 : index
    %get3A_0 = arith.constant 0 : index
    %get3A_1 = vector.load %arg1[%get3A, %get3A_0] : memref<1024x1xi32, #tpu.memory_space<vmem>>, vector<1024x1xi32>
    %eq3A = vector.broadcast %get3A_1 : vector<1024x1xi32> to vector<1024x256xi32>
    %eq3A_2 = arith.cmpi eq, %eq3A, %iota3A : vector<1024x256xi32>
    %convert_element_type3A = arith.extui %eq3A_2 : vector<1024x256xi1> to vector<1024x256xi32>
    %convert_element_type3A_3 = arith.sitofp %convert_element_type3A : vector<1024x256xi32> to vector<1024x256xf32>
    %get3A_4 = arith.constant 0 : index
    %get3A_5 = arith.constant 0 : index
    %get3A_6 = vector.load %arg2[%get3A_4, %get3A_5] : memref<1024x1xi32, #tpu.memory_space<vmem>>, vector<1024x1xi32>
    %eq3A_7 = vector.broadcast %get3A_6 : vector<1024x1xi32> to vector<1024x256xi32>
    %eq3A_8 = arith.cmpi eq, %eq3A_7, %iota3A : vector<1024x256xi32>
    %convert_element_type3A_9 = arith.extui %eq3A_8 : vector<1024x256xi1> to vector<1024x256xi32>
    %convert_element_type3A_10 = arith.sitofp %convert_element_type3A_9 : vector<1024x256xi32> to vector<1024x256xf32>
    %iota3A_11 = tpu.iota {dimensions = array<i32: 0>} : vector<256x1024xi32>
    %get3A_12 = arith.constant 1 : index
    %get3A_13 = arith.constant 0 : index
    %get3A_14 = vector.load %arg3[%get3A_12, %get3A_13] : memref<8x1024xi32, #tpu.memory_space<vmem>>, vector<1x1024xi32>
    %eq3A_15 = vector.broadcast %get3A_14 : vector<1x1024xi32> to vector<256x1024xi32>
    %eq3A_16 = arith.cmpi eq, %iota3A_11, %eq3A_15 : vector<256x1024xi32>
    %convert_element_type3A_17 = arith.extui %eq3A_16 : vector<256x1024xi1> to vector<256x1024xi32>
    %convert_element_type3A_18 = arith.sitofp %convert_element_type3A_17 : vector<256x1024xi32> to vector<256x1024xf32>
    %get3A_19 = arith.constant 0 : index
    %get3A_20 = arith.constant 0 : index
    %get3A_21 = vector.load %arg2[%get3A_19, %get3A_20] : memref<1024x1xi32, #tpu.memory_space<vmem>>, vector<1024x1xi32>
    %get3A_22 = arith.constant 0 : index
    %get3A_23 = arith.constant 0 : index
    %get3A_24 = vector.load %arg1[%get3A_22, %get3A_23] : memref<1024x1xi32, #tpu.memory_space<vmem>>, vector<1024x1xi32>
    %sub3A = arith.subi %get3A_21, %get3A_24 : vector<1024x1xi32>
    %jit3A = arith.constant -32 : i32
    %jit3A_25 = arith.constant 32 : i32
    %max3A = vector.broadcast %jit3A : i32 to vector<1024x1xi32>
    %max3A_26 = arith.maxsi %max3A, %sub3A : vector<1024x1xi32>
    %min3A = vector.broadcast %jit3A_25 : i32 to vector<1024x1xi32>
    %min3A_27 = arith.minsi %min3A, %max3A_26 : vector<1024x1xi32>
    %add3A = arith.constant 32 : i32
    %add3A_28 = vector.broadcast %add3A : i32 to vector<1024x1xi32>
    %add3A_29 = arith.addi %min3A_27, %add3A_28 : vector<1024x1xi32>
    %iota3A_30 = tpu.iota {dimensions = array<i32: 1>} : vector<1024x72xi32>
    %eq3A_31 = vector.broadcast %add3A_29 : vector<1024x1xi32> to vector<1024x72xi32>
    %eq3A_32 = arith.cmpi eq, %eq3A_31, %iota3A_30 : vector<1024x72xi32>
    %convert_element_type3A_33 = arith.extui %eq3A_32 : vector<1024x72xi1> to vector<1024x72xi32>
    %convert_element_type3A_34 = arith.sitofp %convert_element_type3A_33 : vector<1024x72xi32> to vector<1024x72xf32>
    %get3A_35 = arith.constant 0 : index
    %get3A_36 = arith.constant 0 : index
    %get3A_37 = vector.load %arg14[%get3A_35, %get3A_36] : memref<4x128xf32, #tpu.memory_space<vmem>>, vector<4x128xf32>
    %get3A_38 = arith.constant 0 : index
    %get3A_39 = arith.constant 0 : index
    %get3A_40 = vector.load %arg0[%get3A_38, %get3A_39] : memref<256x128xf32, #tpu.memory_space<vmem>>, vector<256x128xf32>
    %get3A_41 = arith.constant 0 : index
    %get3A_42 = arith.constant 0 : index
    %get3A_43 = vector.load %arg6[%get3A_41, %get3A_42] : memref<128x128xf32, #tpu.memory_space<vmem>>, vector<128x128xf32>
    %dot_general3A = arith.constant dense<0.000000e+00> : vector<256x128xf32>
    %dot_general3A_44 = tpu.matmul %get3A_40, %get3A_43, %dot_general3A {dimension_numbers = #tpu.dot_dimension_numbers<[1], [0], [0], [1], [0, 0, 1, 1], [], []>, transpose_lhs_hint = false} : vector<256x128xf32>, vector<128x128xf32>, vector<256x128xf32> -> vector<256x128xf32>
    %get3A_45 = arith.constant 0 : index
    %get3A_46 = arith.constant 0 : index
    %get3A_47 = vector.load %arg8[%get3A_45, %get3A_46] : memref<128x4xf32, #tpu.memory_space<vmem>>, vector<128x4xf32>
    %dot_general3A_48 = arith.constant dense<0.000000e+00> : vector<256x4xf32>
    %dot_general3A_49 = tpu.matmul %dot_general3A_44, %get3A_47, %dot_general3A_48 {dimension_numbers = #tpu.dot_dimension_numbers<[1], [0], [0], [1], [0, 0, 1, 1], [], []>, transpose_lhs_hint = false} : vector<256x128xf32>, vector<128x4xf32>, vector<256x4xf32> -> vector<256x4xf32>
    %dot_general3A_50 = arith.constant dense<0.000000e+00> : vector<1024x4xf32>
    %dot_general3A_51 = tpu.matmul %convert_element_type3A_3, %dot_general3A_49, %dot_general3A_50 {dimension_numbers = #tpu.dot_dimension_numbers<[1], [0], [0], [1], [0, 0, 1, 1], [], []>, transpose_lhs_hint = false} : vector<1024x256xf32>, vector<256x4xf32>, vector<1024x4xf32> -> vector<1024x4xf32>
    %get3A_52 = arith.constant 0 : index
    %get3A_53 = arith.constant 0 : index
    %get3A_54 = vector.load %arg9[%get3A_52, %get3A_53] : memref<128x4xf32, #tpu.memory_space<vmem>>, vector<128x4xf32>
    %dot_general3A_55 = arith.constant dense<0.000000e+00> : vector<256x4xf32>
    %dot_general3A_56 = tpu.matmul %dot_general3A_44, %get3A_54, %dot_general3A_55 {dimension_numbers = #tpu.dot_dimension_numbers<[1], [0], [0], [1], [0, 0, 1, 1], [], []>, transpose_lhs_hint = false} : vector<256x128xf32>, vector<128x4xf32>, vector<256x4xf32> -> vector<256x4xf32>
    %dot_general3A_57 = arith.constant dense<0.000000e+00> : vector<1024x4xf32>
    %dot_general3A_58 = tpu.matmul %convert_element_type3A_10, %dot_general3A_56, %dot_general3A_57 {dimension_numbers = #tpu.dot_dimension_numbers<[1], [0], [0], [1], [0, 0, 1, 1], [], []>, transpose_lhs_hint = false} : vector<1024x256xf32>, vector<256x4xf32>, vector<1024x4xf32> -> vector<1024x4xf32>
    %add3A_59 = arith.addf %dot_general3A_51, %dot_general3A_58 : vector<1024x4xf32>
    %get3A_60 = arith.constant 0 : index
    %get3A_61 = arith.constant 0 : index
    %get3A_62 = vector.load %arg4[%get3A_60, %get3A_61] : memref<72x4xf32, #tpu.memory_space<vmem>>, vector<72x4xf32>
    %dot_general3A_63 = arith.constant dense<0.000000e+00> : vector<1024x4xf32>
    %dot_general3A_64 = tpu.matmul %convert_element_type3A_34, %get3A_62, %dot_general3A_63 {dimension_numbers = #tpu.dot_dimension_numbers<[1], [0], [0], [1], [0, 0, 1, 1], [], []>, transpose_lhs_hint = false} : vector<1024x72xf32>, vector<72x4xf32>, vector<1024x4xf32> -> vector<1024x4xf32>
    %add3A_65 = arith.addf %add3A_59, %dot_general3A_64 : vector<1024x4xf32>
    %gt3A = arith.constant 0.000000e+00 : f32
    %gt3A_66 = vector.broadcast %gt3A : f32 to vector<1024x4xf32>
    %gt3A_67 = arith.cmpf ogt, %add3A_65, %gt3A_66 : vector<1024x4xf32>
    %mul3A = arith.constant 2.000000e-01 : f32
    %mul3A_68 = vector.broadcast %mul3A : f32 to vector<1024x4xf32>
    %mul3A_69 = arith.mulf %mul3A_68, %add3A_65 : vector<1024x4xf32>
    %select_n3A = arith.select %gt3A_67, %add3A_65, %mul3A_69 : vector<1024x4xi1>, vector<1024x4xf32>
    %exp3A = math.exp %select_n3A : vector<1024x4xf32>
    %dot_general3A_70 = arith.constant dense<0.000000e+00> : vector<1024x128xf32>
    %dot_general3A_71 = tpu.matmul %exp3A, %get3A_37, %dot_general3A_70 {dimension_numbers = #tpu.dot_dimension_numbers<[1], [0], [0], [1], [0, 0, 1, 1], [], []>, transpose_lhs_hint = false} : vector<1024x4xf32>, vector<4x128xf32>, vector<1024x128xf32> -> vector<1024x128xf32>
    %dot_general3A_72 = arith.constant dense<0.000000e+00> : vector<1024x128xf32>
    %dot_general3A_73 = tpu.matmul %convert_element_type3A_3, %dot_general3A_44, %dot_general3A_72 {dimension_numbers = #tpu.dot_dimension_numbers<[1], [0], [0], [1], [0, 0, 1, 1], [], []>, transpose_lhs_hint = false} : vector<1024x256xf32>, vector<256x128xf32>, vector<1024x128xf32> -> vector<1024x128xf32>
    %mul3A_74 = arith.mulf %dot_general3A_71, %dot_general3A_73 : vector<1024x128xf32>
    %dot_general3A_75 = arith.constant dense<0.000000e+00> : vector<256x128xf32>
    %dot_general3A_76 = tpu.matmul %convert_element_type3A_18, %mul3A_74, %dot_general3A_75 {dimension_numbers = #tpu.dot_dimension_numbers<[1], [0], [0], [1], [0, 0, 1, 1], [], []>, transpose_lhs_hint = false} : vector<256x1024xf32>, vector<1024x128xf32>, vector<256x128xf32> -> vector<256x128xf32>
    %dot_general3A_77 = arith.constant dense<0.000000e+00> : vector<256x128xf32>
    %dot_general3A_78 = tpu.matmul %convert_element_type3A_18, %dot_general3A_71, %dot_general3A_77 {dimension_numbers = #tpu.dot_dimension_numbers<[1], [0], [0], [1], [0, 0, 1, 1], [], []>, transpose_lhs_hint = false} : vector<256x1024xf32>, vector<1024x128xf32>, vector<256x128xf32> -> vector<256x128xf32>
    %add3A_79 = arith.constant 9.99999971E-10 : f32
    %add3A_80 = vector.broadcast %add3A_79 : f32 to vector<256x128xf32>
    %add3A_81 = arith.addf %dot_general3A_78, %add3A_80 : vector<256x128xf32>
    %div3A = arith.divf %dot_general3A_76, %add3A_81 : vector<256x128xf32>
    %get3A_82 = arith.constant 0 : index
    %get3A_83 = arith.constant 0 : index
    %get3A_84 = vector.load %arg7[%get3A_82, %get3A_83] : memref<1x128xf32, #tpu.memory_space<vmem>>, vector<1x128xf32>
    %add3A_85 = vector.broadcast %get3A_84 : vector<1x128xf32> to vector<256x128xf32>
    %add3A_86 = arith.addf %div3A, %add3A_85 : vector<256x128xf32>
    %mul3A_87 = arith.mulf %add3A_86, %add3A_86 : vector<256x128xf32>
    %reduce_sum3A = arith.constant dense<0.000000e+00> : vector<256xf32>
    %reduce_sum3A_88 = vector.multi_reduction <add>, %mul3A_87, %reduce_sum3A [1] : vector<256x128xf32> to vector<256xf32>
    %broadcast_in_dim3A = vector.shape_cast %reduce_sum3A_88 : vector<256xf32> to vector<256x1xf32>
    %sqrt3A = math.sqrt %broadcast_in_dim3A : vector<256x1xf32>
    %add3A_89 = arith.constant 9.99999971E-10 : f32
    %add3A_90 = vector.broadcast %add3A_89 : f32 to vector<256x1xf32>
    %add3A_91 = arith.addf %sqrt3A, %add3A_90 : vector<256x1xf32>
    %div3A_92 = vector.broadcast %add3A_91 : vector<256x1xf32> to vector<256x128xf32>
    %div3A_93 = arith.divf %add3A_86, %div3A_92 : vector<256x128xf32>
    %gt3A_94 = arith.constant 0.000000e+00 : f32
    %gt3A_95 = vector.broadcast %gt3A_94 : f32 to vector<256x128xf32>
    %gt3A_96 = arith.cmpf ogt, %div3A_93, %gt3A_95 : vector<256x128xf32>
    %exp3A_97 = math.exp %div3A_93 : vector<256x128xf32>
    %sub3A_98 = arith.constant 1.000000e+00 : f32
    %sub3A_99 = vector.broadcast %sub3A_98 : f32 to vector<256x128xf32>
    %sub3A_100 = arith.subf %exp3A_97, %sub3A_99 : vector<256x128xf32>
    %select_n3A_101 = arith.select %gt3A_96, %div3A_93, %sub3A_100 : vector<256x128xi1>, vector<256x128xf32>
    %get3A_102 = arith.constant 0 : index
    %get3A_103 = arith.constant 0 : index
    %get3A_104 = vector.load %arg10[%get3A_102, %get3A_103] : memref<128x128xf32, #tpu.memory_space<vmem>>, vector<128x128xf32>
    %dot_general3A_105 = arith.constant dense<0.000000e+00> : vector<256x128xf32>
    %dot_general3A_106 = tpu.matmul %select_n3A_101, %get3A_104, %dot_general3A_105 {dimension_numbers = #tpu.dot_dimension_numbers<[1], [0], [0], [1], [0, 0, 1, 1], [], []>, transpose_lhs_hint = false} : vector<256x128xf32>, vector<128x128xf32>, vector<256x128xf32> -> vector<256x128xf32>
    %get3A_107 = arith.constant 0 : index
    %get3A_108 = arith.constant 0 : index
    %get3A_109 = vector.load %arg12[%get3A_107, %get3A_108] : memref<128x4xf32, #tpu.memory_space<vmem>>, vector<128x4xf32>
    %dot_general3A_110 = arith.constant dense<0.000000e+00> : vector<256x4xf32>
    %dot_general3A_111 = tpu.matmul %dot_general3A_106, %get3A_109, %dot_general3A_110 {dimension_numbers = #tpu.dot_dimension_numbers<[1], [0], [0], [1], [0, 0, 1, 1], [], []>, transpose_lhs_hint = false} : vector<256x128xf32>, vector<128x4xf32>, vector<256x4xf32> -> vector<256x4xf32>
    %dot_general3A_112 = arith.constant dense<0.000000e+00> : vector<1024x4xf32>
    %dot_general3A_113 = tpu.matmul %convert_element_type3A_3, %dot_general3A_111, %dot_general3A_112 {dimension_numbers = #tpu.dot_dimension_numbers<[1], [0], [0], [1], [0, 0, 1, 1], [], []>, transpose_lhs_hint = false} : vector<1024x256xf32>, vector<256x4xf32>, vector<1024x4xf32> -> vector<1024x4xf32>
    %get3A_114 = arith.constant 0 : index
    %get3A_115 = arith.constant 0 : index
    %get3A_116 = vector.load %arg13[%get3A_114, %get3A_115] : memref<128x4xf32, #tpu.memory_space<vmem>>, vector<128x4xf32>
    %dot_general3A_117 = arith.constant dense<0.000000e+00> : vector<256x4xf32>
    %dot_general3A_118 = tpu.matmul %dot_general3A_106, %get3A_116, %dot_general3A_117 {dimension_numbers = #tpu.dot_dimension_numbers<[1], [0], [0], [1], [0, 0, 1, 1], [], []>, transpose_lhs_hint = false} : vector<256x128xf32>, vector<128x4xf32>, vector<256x4xf32> -> vector<256x4xf32>
    %dot_general3A_119 = arith.constant dense<0.000000e+00> : vector<1024x4xf32>
    %dot_general3A_120 = tpu.matmul %convert_element_type3A_10, %dot_general3A_118, %dot_general3A_119 {dimension_numbers = #tpu.dot_dimension_numbers<[1], [0], [0], [1], [0, 0, 1, 1], [], []>, transpose_lhs_hint = false} : vector<1024x256xf32>, vector<256x4xf32>, vector<1024x4xf32> -> vector<1024x4xf32>
    %add3A_121 = arith.addf %dot_general3A_113, %dot_general3A_120 : vector<1024x4xf32>
    %get3A_122 = arith.constant 0 : index
    %get3A_123 = arith.constant 0 : index
    %get3A_124 = vector.load %arg5[%get3A_122, %get3A_123] : memref<72x4xf32, #tpu.memory_space<vmem>>, vector<72x4xf32>
    %dot_general3A_125 = arith.constant dense<0.000000e+00> : vector<1024x4xf32>
    %dot_general3A_126 = tpu.matmul %convert_element_type3A_34, %get3A_124, %dot_general3A_125 {dimension_numbers = #tpu.dot_dimension_numbers<[1], [0], [0], [1], [0, 0, 1, 1], [], []>, transpose_lhs_hint = false} : vector<1024x72xf32>, vector<72x4xf32>, vector<1024x4xf32> -> vector<1024x4xf32>
    %add3A_127 = arith.addf %add3A_121, %dot_general3A_126 : vector<1024x4xf32>
    %gt3A_128 = arith.constant 0.000000e+00 : f32
    %gt3A_129 = vector.broadcast %gt3A_128 : f32 to vector<1024x4xf32>
    %gt3A_130 = arith.cmpf ogt, %add3A_127, %gt3A_129 : vector<1024x4xf32>
    %mul3A_131 = arith.constant 2.000000e-01 : f32
    %mul3A_132 = vector.broadcast %mul3A_131 : f32 to vector<1024x4xf32>
    %mul3A_133 = arith.mulf %mul3A_132, %add3A_127 : vector<1024x4xf32>
    %select_n3A_134 = arith.select %gt3A_130, %add3A_127, %mul3A_133 : vector<1024x4xi1>, vector<1024x4xf32>
    %exp3A_135 = math.exp %select_n3A_134 : vector<1024x4xf32>
    %dot_general3A_136 = arith.constant dense<0.000000e+00> : vector<1024x128xf32>
    %dot_general3A_137 = tpu.matmul %exp3A_135, %get3A_37, %dot_general3A_136 {dimension_numbers = #tpu.dot_dimension_numbers<[1], [0], [0], [1], [0, 0, 1, 1], [], []>, transpose_lhs_hint = false} : vector<1024x4xf32>, vector<4x128xf32>, vector<1024x128xf32> -> vector<1024x128xf32>
    %dot_general3A_138 = arith.constant dense<0.000000e+00> : vector<1024x128xf32>
    %dot_general3A_139 = tpu.matmul %convert_element_type3A_3, %dot_general3A_106, %dot_general3A_138 {dimension_numbers = #tpu.dot_dimension_numbers<[1], [0], [0], [1], [0, 0, 1, 1], [], []>, transpose_lhs_hint = false} : vector<1024x256xf32>, vector<256x128xf32>, vector<1024x128xf32> -> vector<1024x128xf32>
    %mul3A_140 = arith.mulf %dot_general3A_137, %dot_general3A_139 : vector<1024x128xf32>
    %dot_general3A_141 = arith.constant dense<0.000000e+00> : vector<256x128xf32>
    %dot_general3A_142 = tpu.matmul %convert_element_type3A_18, %mul3A_140, %dot_general3A_141 {dimension_numbers = #tpu.dot_dimension_numbers<[1], [0], [0], [1], [0, 0, 1, 1], [], []>, transpose_lhs_hint = false} : vector<256x1024xf32>, vector<1024x128xf32>, vector<256x128xf32> -> vector<256x128xf32>
    %dot_general3A_143 = arith.constant dense<0.000000e+00> : vector<256x128xf32>
    %dot_general3A_144 = tpu.matmul %convert_element_type3A_18, %dot_general3A_137, %dot_general3A_143 {dimension_numbers = #tpu.dot_dimension_numbers<[1], [0], [0], [1], [0, 0, 1, 1], [], []>, transpose_lhs_hint = false} : vector<256x1024xf32>, vector<1024x128xf32>, vector<256x128xf32> -> vector<256x128xf32>
    %add3A_145 = arith.constant 9.99999971E-10 : f32
    %add3A_146 = vector.broadcast %add3A_145 : f32 to vector<256x128xf32>
    %add3A_147 = arith.addf %dot_general3A_144, %add3A_146 : vector<256x128xf32>
    %div3A_148 = arith.divf %dot_general3A_142, %add3A_147 : vector<256x128xf32>
    %get3A_149 = arith.constant 0 : index
    %get3A_150 = arith.constant 0 : index
    %get3A_151 = vector.load %arg11[%get3A_149, %get3A_150] : memref<1x128xf32, #tpu.memory_space<vmem>>, vector<1x128xf32>
    %add3A_152 = vector.broadcast %get3A_151 : vector<1x128xf32> to vector<256x128xf32>
    %add3A_153 = arith.addf %div3A_148, %add3A_152 : vector<256x128xf32>
    %add3A_154 = arith.addf %add3A_153, %select_n3A_101 : vector<256x128xf32>
    %mul3A_155 = arith.mulf %add3A_154, %add3A_154 : vector<256x128xf32>
    %reduce_sum3A_156 = arith.constant dense<0.000000e+00> : vector<256xf32>
    %reduce_sum3A_157 = vector.multi_reduction <add>, %mul3A_155, %reduce_sum3A_156 [1] : vector<256x128xf32> to vector<256xf32>
    %broadcast_in_dim3A_158 = vector.shape_cast %reduce_sum3A_157 : vector<256xf32> to vector<256x1xf32>
    %sqrt3A_159 = math.sqrt %broadcast_in_dim3A_158 : vector<256x1xf32>
    %add3A_160 = arith.constant 9.99999971E-10 : f32
    %add3A_161 = vector.broadcast %add3A_160 : f32 to vector<256x1xf32>
    %add3A_162 = arith.addf %sqrt3A_159, %add3A_161 : vector<256x1xf32>
    %div3A_163 = vector.broadcast %add3A_162 : vector<256x1xf32> to vector<256x128xf32>
    %div3A_164 = arith.divf %add3A_154, %div3A_163 : vector<256x128xf32>
    %swap3A = arith.constant 0 : index
    %swap3A_165 = arith.constant 0 : index
    %swap3A_166 = vector.load %arg15[%swap3A, %swap3A_165] : memref<256x128xf32, #tpu.memory_space<vmem>>, vector<256x128xf32>
    tpu.vector_store %arg15[%swap3A, %swap3A_165], %div3A_164 {strides = array<i32>} : memref<256x128xf32, #tpu.memory_space<vmem>>, vector<256x128xf32>,
    return
  }
}

module attributes {stable_mosaic.version = 14 : i64} {
  func.func @_token_body(%arg0: i32, %arg1: memref<4096x128xf32, #tpu.memory_space<vmem>>, %arg2: memref<32x2xf32, #tpu.memory_space<vmem>>, %arg3: memref<128x128xf32, #tpu.memory_space<vmem>>, %arg4: memref<4x128xf32, #tpu.memory_space<vmem>>, %arg5: memref<1x128xf32, #tpu.memory_space<vmem>>, %arg6: memref<1x128xf32, #tpu.memory_space<vmem>>, %arg7: memref<128x256xf32, #tpu.memory_space<vmem>>, %arg8: memref<1x256xf32, #tpu.memory_space<vmem>>, %arg9: memref<128x8xf32, #tpu.memory_space<vmem>>, %arg10: memref<1x24xf32, #tpu.memory_space<vmem>>, %arg11: memref<256x256xbf16, #tpu.memory_space<vmem>>, %arg12: memref<1x256xf32, #tpu.memory_space<vmem>>, %arg13: memref<256x8xf32, #tpu.memory_space<vmem>>, %arg14: memref<1x24xf32, #tpu.memory_space<vmem>>, %arg15: memref<256x4xf32, #tpu.memory_space<vmem>>, %arg16: memref<256x256xbf16, #tpu.memory_space<vmem>>, %arg17: memref<1x4xf32, #tpu.memory_space<vmem>>, %arg18: memref<256x128xf32, #tpu.memory_space<vmem>>, %arg19: memref<128x128xf32, #tpu.memory_space<vmem>>, %arg20: memref<2x128xf32, #tpu.memory_space<vmem>>, %arg21: memref<1x128xf32, #tpu.memory_space<vmem>>, %arg22: memref<1x128xf32, #tpu.memory_space<vmem>>, %arg23: memref<1x128xf32, #tpu.memory_space<vmem>>, %arg24: memref<4x256xf32, #tpu.memory_space<vmem>>, %arg25: memref<8x24xf32, #tpu.memory_space<vmem>>, %arg26: memref<8x24xi32, #tpu.memory_space<vmem>>, %arg27: memref<8x24xi32, #tpu.memory_space<vmem>>, %arg28: memref<24x256xf32, #tpu.memory_space<vmem>>, %arg29: memref<144x256xbf16, #tpu.memory_space<vmem>>, %arg30: memref<32x128xf32, #tpu.memory_space<vmem>>) attributes {dimension_semantics = [#tpu.dimension_semantics<arbitrary>], iteration_bounds = array<i64: 8>, scalar_prefetch = 0 : i64, scratch_operands = 0 : i64, tpu.core_type = #tpu.core_type<tc>, window_params = [{transform_indices = @transform_0, window_bounds = array<i64: 4096, 128>}, {transform_indices = @transform_1, window_bounds = array<i64: 32, 2>}, {pipeline_mode = #tpu.pipeline_mode<synchronous>, transform_indices = @transform_2, window_bounds = array<i64: 128, 128>}, {pipeline_mode = #tpu.pipeline_mode<synchronous>, transform_indices = @transform_3, window_bounds = array<i64: 4, 128>}, {pipeline_mode = #tpu.pipeline_mode<synchronous>, transform_indices = @transform_4, window_bounds = array<i64: 1, 128>}, {pipeline_mode = #tpu.pipeline_mode<synchronous>, transform_indices = @transform_5, window_bounds = array<i64: 1, 128>}, {pipeline_mode = #tpu.pipeline_mode<synchronous>, transform_indices = @transform_6, window_bounds = array<i64: 128, 256>}, {pipeline_mode = #tpu.pipeline_mode<synchronous>, transform_indices = @transform_7, window_bounds = array<i64: 1, 256>}, {pipeline_mode = #tpu.pipeline_mode<synchronous>, transform_indices = @transform_8, window_bounds = array<i64: 128, 8>}, {pipeline_mode = #tpu.pipeline_mode<synchronous>, transform_indices = @transform_9, window_bounds = array<i64: 1, 24>}, {pipeline_mode = #tpu.pipeline_mode<synchronous>, transform_indices = @transform_10, window_bounds = array<i64: 256, 256>}, {pipeline_mode = #tpu.pipeline_mode<synchronous>, transform_indices = @transform_11, window_bounds = array<i64: 1, 256>}, {pipeline_mode = #tpu.pipeline_mode<synchronous>, transform_indices = @transform_12, window_bounds = array<i64: 256, 8>}, {pipeline_mode = #tpu.pipeline_mode<synchronous>, transform_indices = @transform_13, window_bounds = array<i64: 1, 24>}, {pipeline_mode = #tpu.pipeline_mode<synchronous>, transform_indices = @transform_14, window_bounds = array<i64: 256, 4>}, {pipeline_mode = #tpu.pipeline_mode<synchronous>, transform_indices = @transform_15, window_bounds = array<i64: 256, 256>}, {pipeline_mode = #tpu.pipeline_mode<synchronous>, transform_indices = @transform_16, window_bounds = array<i64: 1, 4>}, {pipeline_mode = #tpu.pipeline_mode<synchronous>, transform_indices = @transform_17, window_bounds = array<i64: 256, 128>}, {pipeline_mode = #tpu.pipeline_mode<synchronous>, transform_indices = @transform_18, window_bounds = array<i64: 128, 128>}, {pipeline_mode = #tpu.pipeline_mode<synchronous>, transform_indices = @transform_19, window_bounds = array<i64: 2, 128>}, {pipeline_mode = #tpu.pipeline_mode<synchronous>, transform_indices = @transform_20, window_bounds = array<i64: 1, 128>}, {pipeline_mode = #tpu.pipeline_mode<synchronous>, transform_indices = @transform_21, window_bounds = array<i64: 1, 128>}, {pipeline_mode = #tpu.pipeline_mode<synchronous>, transform_indices = @transform_22, window_bounds = array<i64: 1, 128>}, {pipeline_mode = #tpu.pipeline_mode<synchronous>, transform_indices = @transform_23, window_bounds = array<i64: 4, 256>}, {pipeline_mode = #tpu.pipeline_mode<synchronous>, transform_indices = @transform_24, window_bounds = array<i64: 8, 24>}, {pipeline_mode = #tpu.pipeline_mode<synchronous>, transform_indices = @transform_25, window_bounds = array<i64: 8, 24>}, {pipeline_mode = #tpu.pipeline_mode<synchronous>, transform_indices = @transform_26, window_bounds = array<i64: 8, 24>}, {pipeline_mode = #tpu.pipeline_mode<synchronous>, transform_indices = @transform_27, window_bounds = array<i64: 24, 256>}, {pipeline_mode = #tpu.pipeline_mode<synchronous>, transform_indices = @transform_28, window_bounds = array<i64: 144, 256>}, {transform_indices = @transform_29, window_bounds = array<i64: 32, 128>}]} {
    %iota3A = tpu.iota {dimensions = array<i32: 0>} : vector<4096x1xi32>
    %jit3A = arith.constant 128 : i32
    %eq3A = arith.constant 0 : i32
    %eq3A_0 = arith.cmpi eq, %jit3A, %eq3A : i32
    %jit3A_1 = arith.constant 1 : i32
    %select_n3A = arith.select %eq3A_0, %jit3A_1, %jit3A : i32
    %rem3A = vector.broadcast %select_n3A : i32 to vector<4096x1xi32>
    %rem3A_2 = arith.remsi %iota3A, %rem3A : vector<4096x1xi32>
    %ne3A = arith.constant 0 : i32
    %ne3A_3 = vector.broadcast %ne3A : i32 to vector<4096x1xi32>
    %ne3A_4 = arith.cmpi ne, %rem3A_2, %ne3A_3 : vector<4096x1xi32>
    %lt3A = arith.constant 0 : i32
    %lt3A_5 = vector.broadcast %lt3A : i32 to vector<4096x1xi32>
    %lt3A_6 = arith.cmpi slt, %rem3A_2, %lt3A_5 : vector<4096x1xi32>
    %lt3A_7 = arith.constant 0 : i32
    %lt3A_8 = arith.cmpi slt, %select_n3A, %lt3A_7 : i32
    %ne3A_9 = vector.broadcast %lt3A_8 : i1 to vector<4096x1xi1>
    %ne3A_10 = vector.broadcast %ne3A_9 : vector<4096x1xi1> to vector<4096x1xi1>
    %ne3A_11 = arith.xori %lt3A_6, %ne3A_10 : vector<4096x1xi1>
    %and3A = arith.andi %ne3A_11, %ne3A_4 : vector<4096x1xi1>
    %add3A = vector.broadcast %select_n3A : i32 to vector<4096x1xi32>
    %add3A_12 = arith.addi %rem3A_2, %add3A : vector<4096x1xi32>
    %select_n3A_13 = arith.select %and3A, %add3A_12, %rem3A_2 : vector<4096x1xi1>, vector<4096x1xi32>
    %iota3A_14 = tpu.iota {dimensions = array<i32: 1>} : vector<4096x128xi32>
    %eq3A_15 = vector.broadcast %select_n3A_13 : vector<4096x1xi32> to vector<4096x128xi32>
    %eq3A_16 = arith.cmpi eq, %eq3A_15, %iota3A_14 : vector<4096x128xi32>
    %convert_element_type3A = arith.extui %eq3A_16 : vector<4096x128xi1> to vector<4096x128xi32>
    %convert_element_type3A_17 = arith.sitofp %convert_element_type3A : vector<4096x128xi32> to vector<4096x128xf32>
    %jit3A_18 = arith.constant 128 : i32
    %div3A = vector.broadcast %jit3A_18 : i32 to vector<4096x1xi32>
    %div3A_19 = arith.divsi %iota3A, %div3A : vector<4096x1xi32>
    %sign3A = arith.constant 0 : i32
    %sign3A_20 = vector.broadcast %sign3A : i32 to vector<4096x1xi32>
    %sign3A_21 = arith.cmpi sgt, %iota3A, %sign3A_20 : vector<4096x1xi32>
    %sign3A_22 = arith.extui %sign3A_21 : vector<4096x1xi1> to vector<4096x1xi32>
    %sign3A_23 = arith.constant 0 : i32
    %sign3A_24 = vector.broadcast %sign3A_23 : i32 to vector<4096x1xi32>
    %sign3A_25 = arith.cmpi slt, %iota3A, %sign3A_24 : vector<4096x1xi32>
    %sign3A_26 = arith.extui %sign3A_25 : vector<4096x1xi1> to vector<4096x1xi32>
    %sign3A_27 = arith.subi %sign3A_22, %sign3A_26 : vector<4096x1xi32>
    %sign3A_28 = arith.constant 0 : i32
    %sign3A_29 = arith.cmpi sgt, %jit3A_18, %sign3A_28 : i32
    %sign3A_30 = arith.extui %sign3A_29 : i1 to i32
    %sign3A_31 = arith.constant 0 : i32
    %sign3A_32 = arith.cmpi slt, %jit3A_18, %sign3A_31 : i32
    %sign3A_33 = arith.extui %sign3A_32 : i1 to i32
    %sign3A_34 = arith.subi %sign3A_30, %sign3A_33 : i32
    %ne3A_35 = vector.broadcast %sign3A_34 : i32 to vector<4096x1xi32>
    %ne3A_36 = arith.cmpi ne, %sign3A_27, %ne3A_35 : vector<4096x1xi32>
    %rem3A_37 = vector.broadcast %jit3A_18 : i32 to vector<4096x1xi32>
    %rem3A_38 = arith.remsi %iota3A, %rem3A_37 : vector<4096x1xi32>
    %ne3A_39 = arith.constant 0 : i32
    %ne3A_40 = vector.broadcast %ne3A_39 : i32 to vector<4096x1xi32>
    %ne3A_41 = arith.cmpi ne, %rem3A_38, %ne3A_40 : vector<4096x1xi32>
    %and3A_42 = arith.andi %ne3A_36, %ne3A_41 : vector<4096x1xi1>
    %sub3A = arith.constant 1 : i32
    %sub3A_43 = vector.broadcast %sub3A : i32 to vector<4096x1xi32>
    %sub3A_44 = arith.subi %div3A_19, %sub3A_43 : vector<4096x1xi32>
    %select_n3A_45 = arith.select %and3A_42, %sub3A_44, %div3A_19 : vector<4096x1xi1>, vector<4096x1xi32>
    %iota3A_46 = tpu.iota {dimensions = array<i32: 1>} : vector<4096x32xi32>
    %eq3A_47 = vector.broadcast %select_n3A_45 : vector<4096x1xi32> to vector<4096x32xi32>
    %eq3A_48 = arith.cmpi eq, %eq3A_47, %iota3A_46 : vector<4096x32xi32>
    %convert_element_type3A_49 = arith.extui %eq3A_48 : vector<4096x32xi1> to vector<4096x32xi32>
    %convert_element_type3A_50 = arith.sitofp %convert_element_type3A_49 : vector<4096x32xi32> to vector<4096x32xf32>
    %get3A = arith.constant 0 : index
    %get3A_51 = arith.constant 0 : index
    %get3A_52 = vector.load %arg2[%get3A, %get3A_51] : memref<32x2xf32, #tpu.memory_space<vmem>>, vector<32x1xf32>
    %mul3A = arith.constant 4.000000e+00 : f32
    %mul3A_53 = vector.broadcast %mul3A : f32 to vector<32x1xf32>
    %mul3A_54 = arith.mulf %get3A_52, %mul3A_53 : vector<32x1xf32>
    %convert_element_type3A_55 = arith.fptosi %mul3A_54 : vector<32x1xf32> to vector<32x1xi32>
    %jit3A_56 = arith.constant 0 : i32
    %jit3A_57 = arith.constant 3 : i32
    %max3A = vector.broadcast %jit3A_56 : i32 to vector<32x1xi32>
    %max3A_58 = arith.maxsi %max3A, %convert_element_type3A_55 : vector<32x1xi32>
    %min3A = vector.broadcast %jit3A_57 : i32 to vector<32x1xi32>
    %min3A_59 = arith.minsi %min3A, %max3A_58 : vector<32x1xi32>
    %iota3A_60 = tpu.iota {dimensions = array<i32: 1>} : vector<32x4xi32>
    %eq3A_61 = vector.broadcast %min3A_59 : vector<32x1xi32> to vector<32x4xi32>
    %eq3A_62 = arith.cmpi eq, %eq3A_61, %iota3A_60 : vector<32x4xi32>
    %convert_element_type3A_63 = arith.extui %eq3A_62 : vector<32x4xi1> to vector<32x4xi32>
    %convert_element_type3A_64 = arith.sitofp %convert_element_type3A_63 : vector<32x4xi32> to vector<32x4xf32>
    %get3A_65 = arith.constant 0 : index
    %get3A_66 = arith.constant 0 : index
    %get3A_67 = vector.load %arg1[%get3A_65, %get3A_66] : memref<4096x128xf32, #tpu.memory_space<vmem>>, vector<4096x128xf32>
    %get3A_68 = arith.constant 0 : index
    %get3A_69 = arith.constant 0 : index
    %get3A_70 = vector.load %arg3[%get3A_68, %get3A_69] : memref<128x128xf32, #tpu.memory_space<vmem>>, vector<128x128xf32>
    %dot_general3A = arith.constant dense<0.000000e+00> : vector<4096x128xf32>
    %dot_general3A_71 = tpu.matmul %convert_element_type3A_17, %get3A_70, %dot_general3A {dimension_numbers = #tpu.dot_dimension_numbers<[1], [0], [0], [1], [0, 0, 1, 1], [], []>, transpose_lhs_hint = false} : vector<4096x128xf32>, vector<128x128xf32>, vector<4096x128xf32> -> vector<4096x128xf32>
    %add3A_72 = arith.addf %get3A_67, %dot_general3A_71 : vector<4096x128xf32>
    %get3A_73 = arith.constant 0 : index
    %get3A_74 = arith.constant 0 : index
    %get3A_75 = vector.load %arg4[%get3A_73, %get3A_74] : memref<4x128xf32, #tpu.memory_space<vmem>>, vector<4x128xf32>
    %dot_general3A_76 = arith.constant dense<0.000000e+00> : vector<32x128xf32>
    %dot_general3A_77 = tpu.matmul %convert_element_type3A_64, %get3A_75, %dot_general3A_76 {dimension_numbers = #tpu.dot_dimension_numbers<[1], [0], [0], [1], [0, 0, 1, 1], [], []>, transpose_lhs_hint = false} : vector<32x4xf32>, vector<4x128xf32>, vector<32x128xf32> -> vector<32x128xf32>
    %dot_general3A_78 = arith.constant dense<0.000000e+00> : vector<4096x128xf32>
    %dot_general3A_79 = tpu.matmul %convert_element_type3A_50, %dot_general3A_77, %dot_general3A_78 {dimension_numbers = #tpu.dot_dimension_numbers<[1], [0], [0], [1], [0, 0, 1, 1], [], []>, transpose_lhs_hint = false} : vector<4096x32xf32>, vector<32x128xf32>, vector<4096x128xf32> -> vector<4096x128xf32>
    %add3A_80 = arith.addf %add3A_72, %dot_general3A_79 : vector<4096x128xf32>
    %reduce_sum3A = arith.constant dense<0.000000e+00> : vector<4096xf32>
    %reduce_sum3A_81 = vector.multi_reduction <add>, %add3A_80, %reduce_sum3A [1] : vector<4096x128xf32> to vector<4096xf32>
    %broadcast_in_dim3A = vector.shape_cast %reduce_sum3A_81 : vector<4096xf32> to vector<4096x1xf32>
    %div3A_82 = arith.constant 1.280000e+02 : f32
    %div3A_83 = vector.broadcast %div3A_82 : f32 to vector<4096x1xf32>
    %div3A_84 = arith.divf %broadcast_in_dim3A, %div3A_83 : vector<4096x1xf32>
    %sub3A_85 = vector.broadcast %div3A_84 : vector<4096x1xf32> to vector<4096x128xf32>
    %sub3A_86 = arith.subf %add3A_80, %sub3A_85 : vector<4096x128xf32>
    %integer_pow3A = arith.mulf %sub3A_86, %sub3A_86 : vector<4096x128xf32>
    %reduce_sum3A_87 = arith.constant dense<0.000000e+00> : vector<4096xf32>
    %reduce_sum3A_88 = vector.multi_reduction <add>, %integer_pow3A, %reduce_sum3A_87 [1] : vector<4096x128xf32> to vector<4096xf32>
    %broadcast_in_dim3A_89 = vector.shape_cast %reduce_sum3A_88 : vector<4096xf32> to vector<4096x1xf32>
    %div3A_90 = arith.constant 1.280000e+02 : f32
    %div3A_91 = vector.broadcast %div3A_90 : f32 to vector<4096x1xf32>
    %div3A_92 = arith.divf %broadcast_in_dim3A_89, %div3A_91 : vector<4096x1xf32>
    %sub3A_93 = vector.broadcast %div3A_84 : vector<4096x1xf32> to vector<4096x128xf32>
    %sub3A_94 = arith.subf %add3A_80, %sub3A_93 : vector<4096x128xf32>
    %add3A_95 = arith.constant 9.99999974E-6 : f32
    %add3A_96 = vector.broadcast %add3A_95 : f32 to vector<4096x1xf32>
    %add3A_97 = arith.addf %div3A_92, %add3A_96 : vector<4096x1xf32>
    %sqrt3A = math.sqrt %add3A_97 : vector<4096x1xf32>
    %div3A_98 = vector.broadcast %sqrt3A : vector<4096x1xf32> to vector<4096x128xf32>
    %div3A_99 = arith.divf %sub3A_94, %div3A_98 : vector<4096x128xf32>
    %get3A_100 = arith.constant 0 : index
    %get3A_101 = arith.constant 0 : index
    %get3A_102 = vector.load %arg5[%get3A_100, %get3A_101] : memref<1x128xf32, #tpu.memory_space<vmem>>, vector<1x128xf32>
    %mul3A_103 = vector.broadcast %get3A_102 : vector<1x128xf32> to vector<4096x128xf32>
    %mul3A_104 = arith.mulf %div3A_99, %mul3A_103 : vector<4096x128xf32>
    %get3A_105 = arith.constant 0 : index
    %get3A_106 = arith.constant 0 : index
    %get3A_107 = vector.load %arg6[%get3A_105, %get3A_106] : memref<1x128xf32, #tpu.memory_space<vmem>>, vector<1x128xf32>
    %add3A_108 = vector.broadcast %get3A_107 : vector<1x128xf32> to vector<4096x128xf32>
    %add3A_109 = arith.addf %mul3A_104, %add3A_108 : vector<4096x128xf32>
    %get3A_110 = arith.constant 0 : index
    %get3A_111 = arith.constant 0 : index
    %get3A_112 = vector.load %arg24[%get3A_110, %get3A_111] : memref<4x256xf32, #tpu.memory_space<vmem>>, vector<4x256xf32>
    %get3A_113 = arith.constant 0 : index
    %get3A_114 = arith.constant 0 : index
    %get3A_115 = vector.load %arg26[%get3A_113, %get3A_114] : memref<8x24xi32, #tpu.memory_space<vmem>>, vector<1x24xi32>
    %ge3A = vector.broadcast %select_n3A_13 : vector<4096x1xi32> to vector<4096x24xi32>
    %ge3A_116 = vector.broadcast %get3A_115 : vector<1x24xi32> to vector<4096x24xi32>
    %ge3A_117 = arith.cmpi sge, %ge3A, %ge3A_116 : vector<4096x24xi32>
    %get3A_118 = arith.constant 0 : index
    %get3A_119 = arith.constant 0 : index
    %get3A_120 = vector.load %arg27[%get3A_118, %get3A_119] : memref<8x24xi32, #tpu.memory_space<vmem>>, vector<1x24xi32>
    %lt3A_121 = vector.broadcast %select_n3A_13 : vector<4096x1xi32> to vector<4096x24xi32>
    %lt3A_122 = vector.broadcast %get3A_120 : vector<1x24xi32> to vector<4096x24xi32>
    %lt3A_123 = arith.cmpi slt, %lt3A_121, %lt3A_122 : vector<4096x24xi32>
    %and3A_124 = arith.andi %ge3A_117, %lt3A_123 : vector<4096x24xi1>
    %get3A_125 = arith.constant 0 : index
    %get3A_126 = arith.constant 0 : index
    %get3A_127 = vector.load %arg29[%get3A_125, %get3A_126] : memref<144x256xbf16, #tpu.memory_space<vmem>>, vector<144x256xbf16>
    %get3A_128 = arith.constant 0 : index
    %get3A_129 = arith.constant 0 : index
    %get3A_130 = vector.load %arg7[%get3A_128, %get3A_129] : memref<128x256xf32, #tpu.memory_space<vmem>>, vector<128x256xf32>
    %dot_general3A_131 = arith.constant dense<0.000000e+00> : vector<4096x256xf32>
    %dot_general3A_132 = tpu.matmul %add3A_109, %get3A_130, %dot_general3A_131 {dimension_numbers = #tpu.dot_dimension_numbers<[1], [0], [0], [1], [0, 0, 1, 1], [], []>, transpose_lhs_hint = false} : vector<4096x128xf32>, vector<128x256xf32>, vector<4096x256xf32> -> vector<4096x256xf32>
    %get3A_133 = arith.constant 0 : index
    %get3A_134 = arith.constant 0 : index
    %get3A_135 = vector.load %arg9[%get3A_133, %get3A_134] : memref<128x8xf32, #tpu.memory_space<vmem>>, vector<128x8xf32>
    %dot_general3A_136 = arith.constant dense<0.000000e+00> : vector<4096x8xf32>
    %dot_general3A_137 = tpu.matmul %add3A_109, %get3A_135, %dot_general3A_136 {dimension_numbers = #tpu.dot_dimension_numbers<[1], [0], [0], [1], [0, 0, 1, 1], [], []>, transpose_lhs_hint = false} : vector<4096x128xf32>, vector<128x8xf32>, vector<4096x8xf32> -> vector<4096x8xf32>
    %slice3A = vector.extract_strided_slice %dot_general3A_137 {offsets = [0, 0], sizes = [4096, 4], strides = [1, 1]} : vector<4096x8xf32> to vector<4096x4xf32>
    %get3A_138 = arith.constant 0 : index
    %get3A_139 = arith.constant 0 : index
    %get3A_140 = vector.load %arg25[%get3A_138, %get3A_139] : memref<8x24xf32, #tpu.memory_space<vmem>>, vector<8x24xf32>
    %dot_general3A_141 = arith.constant dense<0.000000e+00> : vector<4096x24xf32>
    %dot_general3A_142 = tpu.matmul %dot_general3A_137, %get3A_140, %dot_general3A_141 {dimension_numbers = #tpu.dot_dimension_numbers<[1], [0], [0], [1], [0, 0, 1, 1], [], []>, transpose_lhs_hint = false} : vector<4096x8xf32>, vector<8x24xf32>, vector<4096x24xf32> -> vector<4096x24xf32>
    %broadcast_in_dim3A_143 = arith.constant 0.000000e+00 : f32
    %broadcast_in_dim3A_144 = vector.broadcast %broadcast_in_dim3A_143 : f32 to vector<1x4xf32>
    %slice3A_145 = vector.extract_strided_slice %slice3A {offsets = [0, 0], sizes = [4095, 4], strides = [1, 1]} : vector<4096x4xf32> to vector<4095x4xf32>
    %concatenate3A = tpu.concatenate %broadcast_in_dim3A_144, %slice3A_145 in 0 : vector<1x4xf32>, vector<4095x4xf32> -> vector<4096x4xf32>
    %slice3A_146 = vector.extract_strided_slice %slice3A {offsets = [1, 0], sizes = [4095, 4], strides = [1, 1]} : vector<4096x4xf32> to vector<4095x4xf32>
    %broadcast_in_dim3A_147 = arith.constant 0.000000e+00 : f32
    %broadcast_in_dim3A_148 = vector.broadcast %broadcast_in_dim3A_147 : f32 to vector<1x4xf32>
    %concatenate3A_149 = tpu.concatenate %slice3A_146, %broadcast_in_dim3A_148 in 0 : vector<4095x4xf32>, vector<1x4xf32> -> vector<4096x4xf32>
    %broadcast_in_dim3A_150 = arith.constant 0.000000e+00 : f32
    %broadcast_in_dim3A_151 = vector.broadcast %broadcast_in_dim3A_150 : f32 to vector<2x4xf32>
    %slice3A_152 = vector.extract_strided_slice %slice3A {offsets = [0, 0], sizes = [4094, 4], strides = [1, 1]} : vector<4096x4xf32> to vector<4094x4xf32>
    %concatenate3A_153 = tpu.concatenate %broadcast_in_dim3A_151, %slice3A_152 in 0 : vector<2x4xf32>, vector<4094x4xf32> -> vector<4096x4xf32>
    %slice3A_154 = vector.extract_strided_slice %slice3A {offsets = [2, 0], sizes = [4094, 4], strides = [1, 1]} : vector<4096x4xf32> to vector<4094x4xf32>
    %broadcast_in_dim3A_155 = arith.constant 0.000000e+00 : f32
    %broadcast_in_dim3A_156 = vector.broadcast %broadcast_in_dim3A_155 : f32 to vector<2x4xf32>
    %concatenate3A_157 = tpu.concatenate %slice3A_154, %broadcast_in_dim3A_156 in 0 : vector<4094x4xf32>, vector<2x4xf32> -> vector<4096x4xf32>
    %broadcast_in_dim3A_158 = arith.constant 0.000000e+00 : f32
    %broadcast_in_dim3A_159 = vector.broadcast %broadcast_in_dim3A_158 : f32 to vector<3x4xf32>
    %slice3A_160 = vector.extract_strided_slice %slice3A {offsets = [0, 0], sizes = [4093, 4], strides = [1, 1]} : vector<4096x4xf32> to vector<4093x4xf32>
    %concatenate3A_161 = tpu.concatenate %broadcast_in_dim3A_159, %slice3A_160 in 0 : vector<3x4xf32>, vector<4093x4xf32> -> vector<4096x4xf32>
    %slice3A_162 = vector.extract_strided_slice %slice3A {offsets = [3, 0], sizes = [4093, 4], strides = [1, 1]} : vector<4096x4xf32> to vector<4093x4xf32>
    %broadcast_in_dim3A_163 = arith.constant 0.000000e+00 : f32
    %broadcast_in_dim3A_164 = vector.broadcast %broadcast_in_dim3A_163 : f32 to vector<3x4xf32>
    %concatenate3A_165 = tpu.concatenate %slice3A_162, %broadcast_in_dim3A_164 in 0 : vector<4093x4xf32>, vector<3x4xf32> -> vector<4096x4xf32>
    %concatenate3A_166 = tpu.concatenate %concatenate3A, %concatenate3A_149, %concatenate3A_153, %concatenate3A_157, %concatenate3A_161, %concatenate3A_165 in 1 : vector<4096x4xf32>, vector<4096x4xf32>, vector<4096x4xf32>, vector<4096x4xf32>, vector<4096x4xf32>, vector<4096x4xf32> -> vector<4096x24xf32>
    %add3A_167 = arith.addf %concatenate3A_166, %dot_general3A_142 : vector<4096x24xf32>
    %get3A_168 = arith.constant 0 : index
    %get3A_169 = arith.constant 0 : index
    %get3A_170 = vector.load %arg10[%get3A_168, %get3A_169] : memref<1x24xf32, #tpu.memory_space<vmem>>, vector<1x24xf32>
    %add3A_171 = vector.broadcast %get3A_170 : vector<1x24xf32> to vector<4096x24xf32>
    %add3A_172 = arith.addf %add3A_167, %add3A_171 : vector<4096x24xf32>
    %gt3A = arith.constant 0.000000e+00 : f32
    %gt3A_173 = vector.broadcast %gt3A : f32 to vector<4096x24xf32>
    %gt3A_174 = arith.cmpf ogt, %add3A_172, %gt3A_173 : vector<4096x24xf32>
    %mul3A_175 = arith.constant 2.000000e-01 : f32
    %mul3A_176 = vector.broadcast %mul3A_175 : f32 to vector<4096x24xf32>
    %mul3A_177 = arith.mulf %mul3A_176, %add3A_172 : vector<4096x24xf32>
    %select_n3A_178 = arith.select %gt3A_174, %add3A_172, %mul3A_177 : vector<4096x24xi1>, vector<4096x24xf32>
    %exp3A = math.exp %select_n3A_178 : vector<4096x24xf32>
    %jit3A_179 = arith.constant 0.000000e+00 : f32
    %broadcast_in_dim3A_180 = vector.broadcast %jit3A_179 : f32 to vector<4096x24xf32>
    %select_n3A_181 = arith.select %and3A_124, %exp3A, %broadcast_in_dim3A_180 : vector<4096x24xi1>, vector<4096x24xf32>
    %get3A_182 = arith.constant 0 : index
    %get3A_183 = arith.constant 0 : index
    %get3A_184 = vector.load %arg28[%get3A_182, %get3A_183] : memref<24x256xf32, #tpu.memory_space<vmem>>, vector<24x256xf32>
    %dot_general3A_185 = arith.constant dense<0.000000e+00> : vector<4096x256xf32>
    %dot_general3A_186 = tpu.matmul %select_n3A_181, %get3A_184, %dot_general3A_185 {dimension_numbers = #tpu.dot_dimension_numbers<[1], [0], [0], [1], [0, 0, 1, 1], [], []>, transpose_lhs_hint = false} : vector<4096x24xf32>, vector<24x256xf32>, vector<4096x256xf32> -> vector<4096x256xf32>
    %convert_element_type3A_187 = arith.truncf %dot_general3A_132 : vector<4096x256xf32> to vector<4096x256xbf16>
    %convert_element_type3A_188 = arith.truncf %select_n3A_181 : vector<4096x24xf32> to vector<4096x24xbf16>
    %broadcast_in_dim3A_189 = arith.constant 0.000000e+00 : bf16
    %broadcast_in_dim3A_190 = vector.broadcast %broadcast_in_dim3A_189 : bf16 to vector<4096x256xbf16>
    %broadcast_in_dim3A_191 = arith.constant 0.000000e+00 : bf16
    %broadcast_in_dim3A_192 = vector.broadcast %broadcast_in_dim3A_191 : bf16 to vector<1x256xbf16>
    %slice3A_193 = vector.extract_strided_slice %convert_element_type3A_187 {offsets = [0, 0], sizes = [4095, 256], strides = [1, 1]} : vector<4096x256xbf16> to vector<4095x256xbf16>
    %concatenate3A_194 = tpu.concatenate %broadcast_in_dim3A_192, %slice3A_193 in 0 : vector<1x256xbf16>, vector<4095x256xbf16> -> vector<4096x256xbf16>
    %slice3A_195 = vector.extract_strided_slice %get3A_127 {offsets = [0, 0], sizes = [24, 256], strides = [1, 1]} : vector<144x256xbf16> to vector<24x256xbf16>
    %dot_general3A_196 = arith.constant dense<0.000000e+00> : vector<4096x256xf32>
    %dot_general3A_197 = tpu.matmul %convert_element_type3A_188, %slice3A_195, %dot_general3A_196 {dimension_numbers = #tpu.dot_dimension_numbers<[1], [0], [0], [1], [0, 0, 1, 1], [], []>, transpose_lhs_hint = false} : vector<4096x24xbf16>, vector<24x256xbf16>, vector<4096x256xf32> -> vector<4096x256xf32>
    %convert_element_type3A_198 = arith.truncf %dot_general3A_197 : vector<4096x256xf32> to vector<4096x256xbf16>
    %mul3A_199 = arith.mulf %convert_element_type3A_198, %concatenate3A_194 : vector<4096x256xbf16>
    %add3A_200 = arith.addf %broadcast_in_dim3A_190, %mul3A_199 : vector<4096x256xbf16>
    %slice3A_201 = vector.extract_strided_slice %convert_element_type3A_187 {offsets = [1, 0], sizes = [4095, 256], strides = [1, 1]} : vector<4096x256xbf16> to vector<4095x256xbf16>
    %broadcast_in_dim3A_202 = arith.constant 0.000000e+00 : bf16
    %broadcast_in_dim3A_203 = vector.broadcast %broadcast_in_dim3A_202 : bf16 to vector<1x256xbf16>
    %concatenate3A_204 = tpu.concatenate %slice3A_201, %broadcast_in_dim3A_203 in 0 : vector<4095x256xbf16>, vector<1x256xbf16> -> vector<4096x256xbf16>
    %slice3A_205 = vector.extract_strided_slice %get3A_127 {offsets = [24, 0], sizes = [24, 256], strides = [1, 1]} : vector<144x256xbf16> to vector<24x256xbf16>
    %dot_general3A_206 = arith.constant dense<0.000000e+00> : vector<4096x256xf32>
    %dot_general3A_207 = tpu.matmul %convert_element_type3A_188, %slice3A_205, %dot_general3A_206 {dimension_numbers = #tpu.dot_dimension_numbers<[1], [0], [0], [1], [0, 0, 1, 1], [], []>, transpose_lhs_hint = false} : vector<4096x24xbf16>, vector<24x256xbf16>, vector<4096x256xf32> -> vector<4096x256xf32>
    %convert_element_type3A_208 = arith.truncf %dot_general3A_207 : vector<4096x256xf32> to vector<4096x256xbf16>
    %mul3A_209 = arith.mulf %convert_element_type3A_208, %concatenate3A_204 : vector<4096x256xbf16>
    %add3A_210 = arith.addf %add3A_200, %mul3A_209 : vector<4096x256xbf16>
    %broadcast_in_dim3A_211 = arith.constant 0.000000e+00 : bf16
    %broadcast_in_dim3A_212 = vector.broadcast %broadcast_in_dim3A_211 : bf16 to vector<2x256xbf16>
    %slice3A_213 = vector.extract_strided_slice %convert_element_type3A_187 {offsets = [0, 0], sizes = [4094, 256], strides = [1, 1]} : vector<4096x256xbf16> to vector<4094x256xbf16>
    %concatenate3A_214 = tpu.concatenate %broadcast_in_dim3A_212, %slice3A_213 in 0 : vector<2x256xbf16>, vector<4094x256xbf16> -> vector<4096x256xbf16>
    %slice3A_215 = vector.extract_strided_slice %get3A_127 {offsets = [48, 0], sizes = [24, 256], strides = [1, 1]} : vector<144x256xbf16> to vector<24x256xbf16>
    %dot_general3A_216 = arith.constant dense<0.000000e+00> : vector<4096x256xf32>
    %dot_general3A_217 = tpu.matmul %convert_element_type3A_188, %slice3A_215, %dot_general3A_216 {dimension_numbers = #tpu.dot_dimension_numbers<[1], [0], [0], [1], [0, 0, 1, 1], [], []>, transpose_lhs_hint = false} : vector<4096x24xbf16>, vector<24x256xbf16>, vector<4096x256xf32> -> vector<4096x256xf32>
    %convert_element_type3A_218 = arith.truncf %dot_general3A_217 : vector<4096x256xf32> to vector<4096x256xbf16>
    %mul3A_219 = arith.mulf %convert_element_type3A_218, %concatenate3A_214 : vector<4096x256xbf16>
    %add3A_220 = arith.addf %add3A_210, %mul3A_219 : vector<4096x256xbf16>
    %slice3A_221 = vector.extract_strided_slice %convert_element_type3A_187 {offsets = [2, 0], sizes = [4094, 256], strides = [1, 1]} : vector<4096x256xbf16> to vector<4094x256xbf16>
    %broadcast_in_dim3A_222 = arith.constant 0.000000e+00 : bf16
    %broadcast_in_dim3A_223 = vector.broadcast %broadcast_in_dim3A_222 : bf16 to vector<2x256xbf16>
    %concatenate3A_224 = tpu.concatenate %slice3A_221, %broadcast_in_dim3A_223 in 0 : vector<4094x256xbf16>, vector<2x256xbf16> -> vector<4096x256xbf16>
    %slice3A_225 = vector.extract_strided_slice %get3A_127 {offsets = [72, 0], sizes = [24, 256], strides = [1, 1]} : vector<144x256xbf16> to vector<24x256xbf16>
    %dot_general3A_226 = arith.constant dense<0.000000e+00> : vector<4096x256xf32>
    %dot_general3A_227 = tpu.matmul %convert_element_type3A_188, %slice3A_225, %dot_general3A_226 {dimension_numbers = #tpu.dot_dimension_numbers<[1], [0], [0], [1], [0, 0, 1, 1], [], []>, transpose_lhs_hint = false} : vector<4096x24xbf16>, vector<24x256xbf16>, vector<4096x256xf32> -> vector<4096x256xf32>
    %convert_element_type3A_228 = arith.truncf %dot_general3A_227 : vector<4096x256xf32> to vector<4096x256xbf16>
    %mul3A_229 = arith.mulf %convert_element_type3A_228, %concatenate3A_224 : vector<4096x256xbf16>
    %add3A_230 = arith.addf %add3A_220, %mul3A_229 : vector<4096x256xbf16>
    %broadcast_in_dim3A_231 = arith.constant 0.000000e+00 : bf16
    %broadcast_in_dim3A_232 = vector.broadcast %broadcast_in_dim3A_231 : bf16 to vector<3x256xbf16>
    %slice3A_233 = vector.extract_strided_slice %convert_element_type3A_187 {offsets = [0, 0], sizes = [4093, 256], strides = [1, 1]} : vector<4096x256xbf16> to vector<4093x256xbf16>
    %concatenate3A_234 = tpu.concatenate %broadcast_in_dim3A_232, %slice3A_233 in 0 : vector<3x256xbf16>, vector<4093x256xbf16> -> vector<4096x256xbf16>
    %slice3A_235 = vector.extract_strided_slice %get3A_127 {offsets = [96, 0], sizes = [24, 256], strides = [1, 1]} : vector<144x256xbf16> to vector<24x256xbf16>
    %dot_general3A_236 = arith.constant dense<0.000000e+00> : vector<4096x256xf32>
    %dot_general3A_237 = tpu.matmul %convert_element_type3A_188, %slice3A_235, %dot_general3A_236 {dimension_numbers = #tpu.dot_dimension_numbers<[1], [0], [0], [1], [0, 0, 1, 1], [], []>, transpose_lhs_hint = false} : vector<4096x24xbf16>, vector<24x256xbf16>, vector<4096x256xf32> -> vector<4096x256xf32>
    %convert_element_type3A_238 = arith.truncf %dot_general3A_237 : vector<4096x256xf32> to vector<4096x256xbf16>
    %mul3A_239 = arith.mulf %convert_element_type3A_238, %concatenate3A_234 : vector<4096x256xbf16>
    %add3A_240 = arith.addf %add3A_230, %mul3A_239 : vector<4096x256xbf16>
    %slice3A_241 = vector.extract_strided_slice %convert_element_type3A_187 {offsets = [3, 0], sizes = [4093, 256], strides = [1, 1]} : vector<4096x256xbf16> to vector<4093x256xbf16>
    %broadcast_in_dim3A_242 = arith.constant 0.000000e+00 : bf16
    %broadcast_in_dim3A_243 = vector.broadcast %broadcast_in_dim3A_242 : bf16 to vector<3x256xbf16>
    %concatenate3A_244 = tpu.concatenate %slice3A_241, %broadcast_in_dim3A_243 in 0 : vector<4093x256xbf16>, vector<3x256xbf16> -> vector<4096x256xbf16>
    %slice3A_245 = vector.extract_strided_slice %get3A_127 {offsets = [120, 0], sizes = [24, 256], strides = [1, 1]} : vector<144x256xbf16> to vector<24x256xbf16>
    %dot_general3A_246 = arith.constant dense<0.000000e+00> : vector<4096x256xf32>
    %dot_general3A_247 = tpu.matmul %convert_element_type3A_188, %slice3A_245, %dot_general3A_246 {dimension_numbers = #tpu.dot_dimension_numbers<[1], [0], [0], [1], [0, 0, 1, 1], [], []>, transpose_lhs_hint = false} : vector<4096x24xbf16>, vector<24x256xbf16>, vector<4096x256xf32> -> vector<4096x256xf32>
    %convert_element_type3A_248 = arith.truncf %dot_general3A_247 : vector<4096x256xf32> to vector<4096x256xbf16>
    %mul3A_249 = arith.mulf %convert_element_type3A_248, %concatenate3A_244 : vector<4096x256xbf16>
    %add3A_250 = arith.addf %add3A_240, %mul3A_249 : vector<4096x256xbf16>
    %convert_element_type3A_251 = arith.extf %add3A_250 : vector<4096x256xbf16> to vector<4096x256xf32>
    %add3A_252 = arith.constant 9.99999971E-10 : f32
    %add3A_253 = vector.broadcast %add3A_252 : f32 to vector<4096x256xf32>
    %add3A_254 = arith.addf %dot_general3A_186, %add3A_253 : vector<4096x256xf32>
    %div3A_255 = arith.divf %convert_element_type3A_251, %add3A_254 : vector<4096x256xf32>
    %get3A_256 = arith.constant 0 : index
    %get3A_257 = arith.constant 0 : index
    %get3A_258 = vector.load %arg8[%get3A_256, %get3A_257] : memref<1x256xf32, #tpu.memory_space<vmem>>, vector<1x256xf32>
    %add3A_259 = vector.broadcast %get3A_258 : vector<1x256xf32> to vector<4096x256xf32>
    %add3A_260 = arith.addf %div3A_255, %add3A_259 : vector<4096x256xf32>
    %mul3A_261 = arith.mulf %add3A_260, %add3A_260 : vector<4096x256xf32>
    %reduce_sum3A_262 = arith.constant dense<0.000000e+00> : vector<4096xf32>
    %reduce_sum3A_263 = vector.multi_reduction <add>, %mul3A_261, %reduce_sum3A_262 [1] : vector<4096x256xf32> to vector<4096xf32>
    %broadcast_in_dim3A_264 = vector.shape_cast %reduce_sum3A_263 : vector<4096xf32> to vector<4096x1xf32>
    %sqrt3A_265 = math.sqrt %broadcast_in_dim3A_264 : vector<4096x1xf32>
    %add3A_266 = arith.constant 9.99999971E-10 : f32
    %add3A_267 = vector.broadcast %add3A_266 : f32 to vector<4096x1xf32>
    %add3A_268 = arith.addf %sqrt3A_265, %add3A_267 : vector<4096x1xf32>
    %div3A_269 = vector.broadcast %add3A_268 : vector<4096x1xf32> to vector<4096x256xf32>
    %div3A_270 = arith.divf %add3A_260, %div3A_269 : vector<4096x256xf32>
    %gt3A_271 = arith.constant 0.000000e+00 : f32
    %gt3A_272 = vector.broadcast %gt3A_271 : f32 to vector<4096x256xf32>
    %gt3A_273 = arith.cmpf ogt, %div3A_270, %gt3A_272 : vector<4096x256xf32>
    %exp3A_274 = math.exp %div3A_270 : vector<4096x256xf32>
    %sub3A_275 = arith.constant 1.000000e+00 : f32
    %sub3A_276 = vector.broadcast %sub3A_275 : f32 to vector<4096x256xf32>
    %sub3A_277 = arith.subf %exp3A_274, %sub3A_276 : vector<4096x256xf32>
    %select_n3A_278 = arith.select %gt3A_273, %div3A_270, %sub3A_277 : vector<4096x256xi1>, vector<4096x256xf32>
    %convert_element_type3A_279 = arith.truncf %select_n3A_278 : vector<4096x256xf32> to vector<4096x256xbf16>
    %get3A_280 = arith.constant 0 : index
    %get3A_281 = arith.constant 0 : index
    %get3A_282 = vector.load %arg11[%get3A_280, %get3A_281] : memref<256x256xbf16, #tpu.memory_space<vmem>>, vector<256x256xbf16>
    %dot_general3A_283 = arith.constant dense<0.000000e+00> : vector<4096x256xf32>
    %dot_general3A_284 = tpu.matmul %convert_element_type3A_279, %get3A_282, %dot_general3A_283 {dimension_numbers = #tpu.dot_dimension_numbers<[1], [0], [0], [1], [0, 0, 1, 1], [], []>, transpose_lhs_hint = false} : vector<4096x256xbf16>, vector<256x256xbf16>, vector<4096x256xf32> -> vector<4096x256xf32>
    %get3A_285 = arith.constant 0 : index
    %get3A_286 = arith.constant 0 : index
    %get3A_287 = vector.load %arg13[%get3A_285, %get3A_286] : memref<256x8xf32, #tpu.memory_space<vmem>>, vector<256x8xf32>
    %dot_general3A_288 = arith.constant dense<0.000000e+00> : vector<4096x8xf32>
    %dot_general3A_289 = tpu.matmul %select_n3A_278, %get3A_287, %dot_general3A_288 {dimension_numbers = #tpu.dot_dimension_numbers<[1], [0], [0], [1], [0, 0, 1, 1], [], []>, transpose_lhs_hint = false} : vector<4096x256xf32>, vector<256x8xf32>, vector<4096x8xf32> -> vector<4096x8xf32>
    %slice3A_290 = vector.extract_strided_slice %dot_general3A_289 {offsets = [0, 0], sizes = [4096, 4], strides = [1, 1]} : vector<4096x8xf32> to vector<4096x4xf32>
    %get3A_291 = arith.constant 0 : index
    %get3A_292 = arith.constant 0 : index
    %get3A_293 = vector.load %arg25[%get3A_291, %get3A_292] : memref<8x24xf32, #tpu.memory_space<vmem>>, vector<8x24xf32>
    %dot_general3A_294 = arith.constant dense<0.000000e+00> : vector<4096x24xf32>
    %dot_general3A_295 = tpu.matmul %dot_general3A_289, %get3A_293, %dot_general3A_294 {dimension_numbers = #tpu.dot_dimension_numbers<[1], [0], [0], [1], [0, 0, 1, 1], [], []>, transpose_lhs_hint = false} : vector<4096x8xf32>, vector<8x24xf32>, vector<4096x24xf32> -> vector<4096x24xf32>
    %broadcast_in_dim3A_296 = arith.constant 0.000000e+00 : f32
    %broadcast_in_dim3A_297 = vector.broadcast %broadcast_in_dim3A_296 : f32 to vector<1x4xf32>
    %slice3A_298 = vector.extract_strided_slice %slice3A_290 {offsets = [0, 0], sizes = [4095, 4], strides = [1, 1]} : vector<4096x4xf32> to vector<4095x4xf32>
    %concatenate3A_299 = tpu.concatenate %broadcast_in_dim3A_297, %slice3A_298 in 0 : vector<1x4xf32>, vector<4095x4xf32> -> vector<4096x4xf32>
    %slice3A_300 = vector.extract_strided_slice %slice3A_290 {offsets = [1, 0], sizes = [4095, 4], strides = [1, 1]} : vector<4096x4xf32> to vector<4095x4xf32>
    %broadcast_in_dim3A_301 = arith.constant 0.000000e+00 : f32
    %broadcast_in_dim3A_302 = vector.broadcast %broadcast_in_dim3A_301 : f32 to vector<1x4xf32>
    %concatenate3A_303 = tpu.concatenate %slice3A_300, %broadcast_in_dim3A_302 in 0 : vector<4095x4xf32>, vector<1x4xf32> -> vector<4096x4xf32>
    %broadcast_in_dim3A_304 = arith.constant 0.000000e+00 : f32
    %broadcast_in_dim3A_305 = vector.broadcast %broadcast_in_dim3A_304 : f32 to vector<2x4xf32>
    %slice3A_306 = vector.extract_strided_slice %slice3A_290 {offsets = [0, 0], sizes = [4094, 4], strides = [1, 1]} : vector<4096x4xf32> to vector<4094x4xf32>
    %concatenate3A_307 = tpu.concatenate %broadcast_in_dim3A_305, %slice3A_306 in 0 : vector<2x4xf32>, vector<4094x4xf32> -> vector<4096x4xf32>
    %slice3A_308 = vector.extract_strided_slice %slice3A_290 {offsets = [2, 0], sizes = [4094, 4], strides = [1, 1]} : vector<4096x4xf32> to vector<4094x4xf32>
    %broadcast_in_dim3A_309 = arith.constant 0.000000e+00 : f32
    %broadcast_in_dim3A_310 = vector.broadcast %broadcast_in_dim3A_309 : f32 to vector<2x4xf32>
    %concatenate3A_311 = tpu.concatenate %slice3A_308, %broadcast_in_dim3A_310 in 0 : vector<4094x4xf32>, vector<2x4xf32> -> vector<4096x4xf32>
    %broadcast_in_dim3A_312 = arith.constant 0.000000e+00 : f32
    %broadcast_in_dim3A_313 = vector.broadcast %broadcast_in_dim3A_312 : f32 to vector<3x4xf32>
    %slice3A_314 = vector.extract_strided_slice %slice3A_290 {offsets = [0, 0], sizes = [4093, 4], strides = [1, 1]} : vector<4096x4xf32> to vector<4093x4xf32>
    %concatenate3A_315 = tpu.concatenate %broadcast_in_dim3A_313, %slice3A_314 in 0 : vector<3x4xf32>, vector<4093x4xf32> -> vector<4096x4xf32>
    %slice3A_316 = vector.extract_strided_slice %slice3A_290 {offsets = [3, 0], sizes = [4093, 4], strides = [1, 1]} : vector<4096x4xf32> to vector<4093x4xf32>
    %broadcast_in_dim3A_317 = arith.constant 0.000000e+00 : f32
    %broadcast_in_dim3A_318 = vector.broadcast %broadcast_in_dim3A_317 : f32 to vector<3x4xf32>
    %concatenate3A_319 = tpu.concatenate %slice3A_316, %broadcast_in_dim3A_318 in 0 : vector<4093x4xf32>, vector<3x4xf32> -> vector<4096x4xf32>
    %concatenate3A_320 = tpu.concatenate %concatenate3A_299, %concatenate3A_303, %concatenate3A_307, %concatenate3A_311, %concatenate3A_315, %concatenate3A_319 in 1 : vector<4096x4xf32>, vector<4096x4xf32>, vector<4096x4xf32>, vector<4096x4xf32>, vector<4096x4xf32>, vector<4096x4xf32> -> vector<4096x24xf32>
    %add3A_321 = arith.addf %concatenate3A_320, %dot_general3A_295 : vector<4096x24xf32>
    %get3A_322 = arith.constant 0 : index
    %get3A_323 = arith.constant 0 : index
    %get3A_324 = vector.load %arg14[%get3A_322, %get3A_323] : memref<1x24xf32, #tpu.memory_space<vmem>>, vector<1x24xf32>
    %add3A_325 = vector.broadcast %get3A_324 : vector<1x24xf32> to vector<4096x24xf32>
    %add3A_326 = arith.addf %add3A_321, %add3A_325 : vector<4096x24xf32>
    %gt3A_327 = arith.constant 0.000000e+00 : f32
    %gt3A_328 = vector.broadcast %gt3A_327 : f32 to vector<4096x24xf32>
    %gt3A_329 = arith.cmpf ogt, %add3A_326, %gt3A_328 : vector<4096x24xf32>
    %mul3A_330 = arith.constant 2.000000e-01 : f32
    %mul3A_331 = vector.broadcast %mul3A_330 : f32 to vector<4096x24xf32>
    %mul3A_332 = arith.mulf %mul3A_331, %add3A_326 : vector<4096x24xf32>
    %select_n3A_333 = arith.select %gt3A_329, %add3A_326, %mul3A_332 : vector<4096x24xi1>, vector<4096x24xf32>
    %exp3A_334 = math.exp %select_n3A_333 : vector<4096x24xf32>
    %jit3A_335 = arith.constant 0.000000e+00 : f32
    %broadcast_in_dim3A_336 = vector.broadcast %jit3A_335 : f32 to vector<4096x24xf32>
    %select_n3A_337 = arith.select %and3A_124, %exp3A_334, %broadcast_in_dim3A_336 : vector<4096x24xi1>, vector<4096x24xf32>
    %get3A_338 = arith.constant 0 : index
    %get3A_339 = arith.constant 0 : index
    %get3A_340 = vector.load %arg28[%get3A_338, %get3A_339] : memref<24x256xf32, #tpu.memory_space<vmem>>, vector<24x256xf32>
    %dot_general3A_341 = arith.constant dense<0.000000e+00> : vector<4096x256xf32>
    %dot_general3A_342 = tpu.matmul %select_n3A_337, %get3A_340, %dot_general3A_341 {dimension_numbers = #tpu.dot_dimension_numbers<[1], [0], [0], [1], [0, 0, 1, 1], [], []>, transpose_lhs_hint = false} : vector<4096x24xf32>, vector<24x256xf32>, vector<4096x256xf32> -> vector<4096x256xf32>
    %convert_element_type3A_343 = arith.truncf %dot_general3A_284 : vector<4096x256xf32> to vector<4096x256xbf16>
    %convert_element_type3A_344 = arith.truncf %select_n3A_337 : vector<4096x24xf32> to vector<4096x24xbf16>
    %broadcast_in_dim3A_345 = arith.constant 0.000000e+00 : bf16
    %broadcast_in_dim3A_346 = vector.broadcast %broadcast_in_dim3A_345 : bf16 to vector<4096x256xbf16>
    %broadcast_in_dim3A_347 = arith.constant 0.000000e+00 : bf16
    %broadcast_in_dim3A_348 = vector.broadcast %broadcast_in_dim3A_347 : bf16 to vector<1x256xbf16>
    %slice3A_349 = vector.extract_strided_slice %convert_element_type3A_343 {offsets = [0, 0], sizes = [4095, 256], strides = [1, 1]} : vector<4096x256xbf16> to vector<4095x256xbf16>
    %concatenate3A_350 = tpu.concatenate %broadcast_in_dim3A_348, %slice3A_349 in 0 : vector<1x256xbf16>, vector<4095x256xbf16> -> vector<4096x256xbf16>
    %slice3A_351 = vector.extract_strided_slice %get3A_127 {offsets = [0, 0], sizes = [24, 256], strides = [1, 1]} : vector<144x256xbf16> to vector<24x256xbf16>
    %dot_general3A_352 = arith.constant dense<0.000000e+00> : vector<4096x256xf32>
    %dot_general3A_353 = tpu.matmul %convert_element_type3A_344, %slice3A_351, %dot_general3A_352 {dimension_numbers = #tpu.dot_dimension_numbers<[1], [0], [0], [1], [0, 0, 1, 1], [], []>, transpose_lhs_hint = false} : vector<4096x24xbf16>, vector<24x256xbf16>, vector<4096x256xf32> -> vector<4096x256xf32>
    %convert_element_type3A_354 = arith.truncf %dot_general3A_353 : vector<4096x256xf32> to vector<4096x256xbf16>
    %mul3A_355 = arith.mulf %convert_element_type3A_354, %concatenate3A_350 : vector<4096x256xbf16>
    %add3A_356 = arith.addf %broadcast_in_dim3A_346, %mul3A_355 : vector<4096x256xbf16>
    %slice3A_357 = vector.extract_strided_slice %convert_element_type3A_343 {offsets = [1, 0], sizes = [4095, 256], strides = [1, 1]} : vector<4096x256xbf16> to vector<4095x256xbf16>
    %broadcast_in_dim3A_358 = arith.constant 0.000000e+00 : bf16
    %broadcast_in_dim3A_359 = vector.broadcast %broadcast_in_dim3A_358 : bf16 to vector<1x256xbf16>
    %concatenate3A_360 = tpu.concatenate %slice3A_357, %broadcast_in_dim3A_359 in 0 : vector<4095x256xbf16>, vector<1x256xbf16> -> vector<4096x256xbf16>
    %slice3A_361 = vector.extract_strided_slice %get3A_127 {offsets = [24, 0], sizes = [24, 256], strides = [1, 1]} : vector<144x256xbf16> to vector<24x256xbf16>
    %dot_general3A_362 = arith.constant dense<0.000000e+00> : vector<4096x256xf32>
    %dot_general3A_363 = tpu.matmul %convert_element_type3A_344, %slice3A_361, %dot_general3A_362 {dimension_numbers = #tpu.dot_dimension_numbers<[1], [0], [0], [1], [0, 0, 1, 1], [], []>, transpose_lhs_hint = false} : vector<4096x24xbf16>, vector<24x256xbf16>, vector<4096x256xf32> -> vector<4096x256xf32>
    %convert_element_type3A_364 = arith.truncf %dot_general3A_363 : vector<4096x256xf32> to vector<4096x256xbf16>
    %mul3A_365 = arith.mulf %convert_element_type3A_364, %concatenate3A_360 : vector<4096x256xbf16>
    %add3A_366 = arith.addf %add3A_356, %mul3A_365 : vector<4096x256xbf16>
    %broadcast_in_dim3A_367 = arith.constant 0.000000e+00 : bf16
    %broadcast_in_dim3A_368 = vector.broadcast %broadcast_in_dim3A_367 : bf16 to vector<2x256xbf16>
    %slice3A_369 = vector.extract_strided_slice %convert_element_type3A_343 {offsets = [0, 0], sizes = [4094, 256], strides = [1, 1]} : vector<4096x256xbf16> to vector<4094x256xbf16>
    %concatenate3A_370 = tpu.concatenate %broadcast_in_dim3A_368, %slice3A_369 in 0 : vector<2x256xbf16>, vector<4094x256xbf16> -> vector<4096x256xbf16>
    %slice3A_371 = vector.extract_strided_slice %get3A_127 {offsets = [48, 0], sizes = [24, 256], strides = [1, 1]} : vector<144x256xbf16> to vector<24x256xbf16>
    %dot_general3A_372 = arith.constant dense<0.000000e+00> : vector<4096x256xf32>
    %dot_general3A_373 = tpu.matmul %convert_element_type3A_344, %slice3A_371, %dot_general3A_372 {dimension_numbers = #tpu.dot_dimension_numbers<[1], [0], [0], [1], [0, 0, 1, 1], [], []>, transpose_lhs_hint = false} : vector<4096x24xbf16>, vector<24x256xbf16>, vector<4096x256xf32> -> vector<4096x256xf32>
    %convert_element_type3A_374 = arith.truncf %dot_general3A_373 : vector<4096x256xf32> to vector<4096x256xbf16>
    %mul3A_375 = arith.mulf %convert_element_type3A_374, %concatenate3A_370 : vector<4096x256xbf16>
    %add3A_376 = arith.addf %add3A_366, %mul3A_375 : vector<4096x256xbf16>
    %slice3A_377 = vector.extract_strided_slice %convert_element_type3A_343 {offsets = [2, 0], sizes = [4094, 256], strides = [1, 1]} : vector<4096x256xbf16> to vector<4094x256xbf16>
    %broadcast_in_dim3A_378 = arith.constant 0.000000e+00 : bf16
    %broadcast_in_dim3A_379 = vector.broadcast %broadcast_in_dim3A_378 : bf16 to vector<2x256xbf16>
    %concatenate3A_380 = tpu.concatenate %slice3A_377, %broadcast_in_dim3A_379 in 0 : vector<4094x256xbf16>, vector<2x256xbf16> -> vector<4096x256xbf16>
    %slice3A_381 = vector.extract_strided_slice %get3A_127 {offsets = [72, 0], sizes = [24, 256], strides = [1, 1]} : vector<144x256xbf16> to vector<24x256xbf16>
    %dot_general3A_382 = arith.constant dense<0.000000e+00> : vector<4096x256xf32>
    %dot_general3A_383 = tpu.matmul %convert_element_type3A_344, %slice3A_381, %dot_general3A_382 {dimension_numbers = #tpu.dot_dimension_numbers<[1], [0], [0], [1], [0, 0, 1, 1], [], []>, transpose_lhs_hint = false} : vector<4096x24xbf16>, vector<24x256xbf16>, vector<4096x256xf32> -> vector<4096x256xf32>
    %convert_element_type3A_384 = arith.truncf %dot_general3A_383 : vector<4096x256xf32> to vector<4096x256xbf16>
    %mul3A_385 = arith.mulf %convert_element_type3A_384, %concatenate3A_380 : vector<4096x256xbf16>
    %add3A_386 = arith.addf %add3A_376, %mul3A_385 : vector<4096x256xbf16>
    %broadcast_in_dim3A_387 = arith.constant 0.000000e+00 : bf16
    %broadcast_in_dim3A_388 = vector.broadcast %broadcast_in_dim3A_387 : bf16 to vector<3x256xbf16>
    %slice3A_389 = vector.extract_strided_slice %convert_element_type3A_343 {offsets = [0, 0], sizes = [4093, 256], strides = [1, 1]} : vector<4096x256xbf16> to vector<4093x256xbf16>
    %concatenate3A_390 = tpu.concatenate %broadcast_in_dim3A_388, %slice3A_389 in 0 : vector<3x256xbf16>, vector<4093x256xbf16> -> vector<4096x256xbf16>
    %slice3A_391 = vector.extract_strided_slice %get3A_127 {offsets = [96, 0], sizes = [24, 256], strides = [1, 1]} : vector<144x256xbf16> to vector<24x256xbf16>
    %dot_general3A_392 = arith.constant dense<0.000000e+00> : vector<4096x256xf32>
    %dot_general3A_393 = tpu.matmul %convert_element_type3A_344, %slice3A_391, %dot_general3A_392 {dimension_numbers = #tpu.dot_dimension_numbers<[1], [0], [0], [1], [0, 0, 1, 1], [], []>, transpose_lhs_hint = false} : vector<4096x24xbf16>, vector<24x256xbf16>, vector<4096x256xf32> -> vector<4096x256xf32>
    %convert_element_type3A_394 = arith.truncf %dot_general3A_393 : vector<4096x256xf32> to vector<4096x256xbf16>
    %mul3A_395 = arith.mulf %convert_element_type3A_394, %concatenate3A_390 : vector<4096x256xbf16>
    %add3A_396 = arith.addf %add3A_386, %mul3A_395 : vector<4096x256xbf16>
    %slice3A_397 = vector.extract_strided_slice %convert_element_type3A_343 {offsets = [3, 0], sizes = [4093, 256], strides = [1, 1]} : vector<4096x256xbf16> to vector<4093x256xbf16>
    %broadcast_in_dim3A_398 = arith.constant 0.000000e+00 : bf16
    %broadcast_in_dim3A_399 = vector.broadcast %broadcast_in_dim3A_398 : bf16 to vector<3x256xbf16>
    %concatenate3A_400 = tpu.concatenate %slice3A_397, %broadcast_in_dim3A_399 in 0 : vector<4093x256xbf16>, vector<3x256xbf16> -> vector<4096x256xbf16>
    %slice3A_401 = vector.extract_strided_slice %get3A_127 {offsets = [120, 0], sizes = [24, 256], strides = [1, 1]} : vector<144x256xbf16> to vector<24x256xbf16>
    %dot_general3A_402 = arith.constant dense<0.000000e+00> : vector<4096x256xf32>
    %dot_general3A_403 = tpu.matmul %convert_element_type3A_344, %slice3A_401, %dot_general3A_402 {dimension_numbers = #tpu.dot_dimension_numbers<[1], [0], [0], [1], [0, 0, 1, 1], [], []>, transpose_lhs_hint = false} : vector<4096x24xbf16>, vector<24x256xbf16>, vector<4096x256xf32> -> vector<4096x256xf32>
    %convert_element_type3A_404 = arith.truncf %dot_general3A_403 : vector<4096x256xf32> to vector<4096x256xbf16>
    %mul3A_405 = arith.mulf %convert_element_type3A_404, %concatenate3A_400 : vector<4096x256xbf16>
    %add3A_406 = arith.addf %add3A_396, %mul3A_405 : vector<4096x256xbf16>
    %convert_element_type3A_407 = arith.extf %add3A_406 : vector<4096x256xbf16> to vector<4096x256xf32>
    %add3A_408 = arith.constant 9.99999971E-10 : f32
    %add3A_409 = vector.broadcast %add3A_408 : f32 to vector<4096x256xf32>
    %add3A_410 = arith.addf %dot_general3A_342, %add3A_409 : vector<4096x256xf32>
    %div3A_411 = arith.divf %convert_element_type3A_407, %add3A_410 : vector<4096x256xf32>
    %get3A_412 = arith.constant 0 : index
    %get3A_413 = arith.constant 0 : index
    %get3A_414 = vector.load %arg12[%get3A_412, %get3A_413] : memref<1x256xf32, #tpu.memory_space<vmem>>, vector<1x256xf32>
    %add3A_415 = vector.broadcast %get3A_414 : vector<1x256xf32> to vector<4096x256xf32>
    %add3A_416 = arith.addf %div3A_411, %add3A_415 : vector<4096x256xf32>
    %add3A_417 = arith.addf %add3A_416, %select_n3A_278 : vector<4096x256xf32>
    %mul3A_418 = arith.mulf %add3A_417, %add3A_417 : vector<4096x256xf32>
    %reduce_sum3A_419 = arith.constant dense<0.000000e+00> : vector<4096xf32>
    %reduce_sum3A_420 = vector.multi_reduction <add>, %mul3A_418, %reduce_sum3A_419 [1] : vector<4096x256xf32> to vector<4096xf32>
    %broadcast_in_dim3A_421 = vector.shape_cast %reduce_sum3A_420 : vector<4096xf32> to vector<4096x1xf32>
    %sqrt3A_422 = math.sqrt %broadcast_in_dim3A_421 : vector<4096x1xf32>
    %add3A_423 = arith.constant 9.99999971E-10 : f32
    %add3A_424 = vector.broadcast %add3A_423 : f32 to vector<4096x1xf32>
    %add3A_425 = arith.addf %sqrt3A_422, %add3A_424 : vector<4096x1xf32>
    %div3A_426 = vector.broadcast %add3A_425 : vector<4096x1xf32> to vector<4096x256xf32>
    %div3A_427 = arith.divf %add3A_417, %div3A_426 : vector<4096x256xf32>
    %gt3A_428 = arith.constant 0.000000e+00 : f32
    %gt3A_429 = vector.broadcast %gt3A_428 : f32 to vector<4096x256xf32>
    %gt3A_430 = arith.cmpf ogt, %div3A_427, %gt3A_429 : vector<4096x256xf32>
    %exp3A_431 = math.exp %div3A_427 : vector<4096x256xf32>
    %sub3A_432 = arith.constant 1.000000e+00 : f32
    %sub3A_433 = vector.broadcast %sub3A_432 : f32 to vector<4096x256xf32>
    %sub3A_434 = arith.subf %exp3A_431, %sub3A_433 : vector<4096x256xf32>
    %select_n3A_435 = arith.select %gt3A_430, %div3A_427, %sub3A_434 : vector<4096x256xi1>, vector<4096x256xf32>
    %convert_element_type3A_436 = arith.truncf %select_n3A_435 : vector<4096x256xf32> to vector<4096x256xbf16>
    %get3A_437 = arith.constant 0 : index
    %get3A_438 = arith.constant 0 : index
    %get3A_439 = vector.load %arg16[%get3A_437, %get3A_438] : memref<256x256xbf16, #tpu.memory_space<vmem>>, vector<256x256xbf16>
    %dot_general3A_440 = arith.constant dense<0.000000e+00> : vector<4096x256xf32>
    %dot_general3A_441 = tpu.matmul %convert_element_type3A_436, %get3A_439, %dot_general3A_440 {dimension_numbers = #tpu.dot_dimension_numbers<[1], [0], [0], [1], [0, 0, 1, 1], [], []>, transpose_lhs_hint = false} : vector<4096x256xbf16>, vector<256x256xbf16>, vector<4096x256xf32> -> vector<4096x256xf32>
    %get3A_442 = arith.constant 0 : index
    %get3A_443 = arith.constant 0 : index
    %get3A_444 = vector.load %arg15[%get3A_442, %get3A_443] : memref<256x4xf32, #tpu.memory_space<vmem>>, vector<256x4xf32>
    %dot_general3A_445 = arith.constant dense<0.000000e+00> : vector<4096x4xf32>
    %dot_general3A_446 = tpu.matmul %select_n3A_435, %get3A_444, %dot_general3A_445 {dimension_numbers = #tpu.dot_dimension_numbers<[1], [0], [0], [1], [0, 0, 1, 1], [], []>, transpose_lhs_hint = false} : vector<4096x256xf32>, vector<256x4xf32>, vector<4096x4xf32> -> vector<4096x4xf32>
    %convert_element_type3A_447 = arith.sitofp %select_n3A_13 : vector<4096x1xi32> to vector<4096x1xf32>
    %mul3A_448 = arith.constant 7.812500e-03 : f32
    %mul3A_449 = vector.broadcast %mul3A_448 : f32 to vector<4096x1xf32>
    %mul3A_450 = arith.mulf %convert_element_type3A_447, %mul3A_449 : vector<4096x1xf32>
    %get3A_451 = arith.constant 0 : index
    %get3A_452 = arith.constant 0 : index
    %get3A_453 = vector.load %arg17[%get3A_451, %get3A_452] : memref<1x4xf32, #tpu.memory_space<vmem>>, vector<1x4xf32>
    %mul3A_454 = vector.broadcast %mul3A_450 : vector<4096x1xf32> to vector<4096x4xf32>
    %mul3A_455 = vector.broadcast %get3A_453 : vector<1x4xf32> to vector<4096x4xf32>
    %mul3A_456 = arith.mulf %mul3A_454, %mul3A_455 : vector<4096x4xf32>
    %add3A_457 = arith.addf %dot_general3A_446, %mul3A_456 : vector<4096x4xf32>
    %iota3A_458 = tpu.iota {dimensions = array<i32: 0>} : vector<32x4096xi32>
    %iota3A_459 = tpu.iota {dimensions = array<i32: 1>} : vector<32x4096xi32>
    %jit3A_460 = arith.constant 128 : i32
    %div3A_461 = vector.broadcast %jit3A_460 : i32 to vector<32x4096xi32>
    %div3A_462 = arith.divsi %iota3A_459, %div3A_461 : vector<32x4096xi32>
    %sign3A_463 = arith.constant 0 : i32
    %sign3A_464 = vector.broadcast %sign3A_463 : i32 to vector<32x4096xi32>
    %sign3A_465 = arith.cmpi sgt, %iota3A_459, %sign3A_464 : vector<32x4096xi32>
    %sign3A_466 = arith.extui %sign3A_465 : vector<32x4096xi1> to vector<32x4096xi32>
    %sign3A_467 = arith.constant 0 : i32
    %sign3A_468 = vector.broadcast %sign3A_467 : i32 to vector<32x4096xi32>
    %sign3A_469 = arith.cmpi slt, %iota3A_459, %sign3A_468 : vector<32x4096xi32>
    %sign3A_470 = arith.extui %sign3A_469 : vector<32x4096xi1> to vector<32x4096xi32>
    %sign3A_471 = arith.subi %sign3A_466, %sign3A_470 : vector<32x4096xi32>
    %sign3A_472 = arith.constant 0 : i32
    %sign3A_473 = arith.cmpi sgt, %jit3A_460, %sign3A_472 : i32
    %sign3A_474 = arith.extui %sign3A_473 : i1 to i32
    %sign3A_475 = arith.constant 0 : i32
    %sign3A_476 = arith.cmpi slt, %jit3A_460, %sign3A_475 : i32
    %sign3A_477 = arith.extui %sign3A_476 : i1 to i32
    %sign3A_478 = arith.subi %sign3A_474, %sign3A_477 : i32
    %ne3A_479 = vector.broadcast %sign3A_478 : i32 to vector<32x4096xi32>
    %ne3A_480 = arith.cmpi ne, %sign3A_471, %ne3A_479 : vector<32x4096xi32>
    %rem3A_481 = vector.broadcast %jit3A_460 : i32 to vector<32x4096xi32>
    %rem3A_482 = arith.remsi %iota3A_459, %rem3A_481 : vector<32x4096xi32>
    %ne3A_483 = arith.constant 0 : i32
    %ne3A_484 = vector.broadcast %ne3A_483 : i32 to vector<32x4096xi32>
    %ne3A_485 = arith.cmpi ne, %rem3A_482, %ne3A_484 : vector<32x4096xi32>
    %and3A_486 = arith.andi %ne3A_480, %ne3A_485 : vector<32x4096xi1>
    %sub3A_487 = arith.constant 1 : i32
    %sub3A_488 = vector.broadcast %sub3A_487 : i32 to vector<32x4096xi32>
    %sub3A_489 = arith.subi %div3A_462, %sub3A_488 : vector<32x4096xi32>
    %select_n3A_490 = arith.select %and3A_486, %sub3A_489, %div3A_462 : vector<32x4096xi1>, vector<32x4096xi32>
    %eq3A_491 = arith.cmpi eq, %iota3A_458, %select_n3A_490 : vector<32x4096xi32>
    %convert_element_type3A_492 = arith.extui %eq3A_491 : vector<32x4096xi1> to vector<32x4096xi32>
    %convert_element_type3A_493 = arith.sitofp %convert_element_type3A_492 : vector<32x4096xi32> to vector<32x4096xf32>
    %exp3A_494 = math.exp %add3A_457 : vector<4096x4xf32>
    %dot_general3A_495 = arith.constant dense<0.000000e+00> : vector<32x4xf32>
    %dot_general3A_496 = tpu.matmul %convert_element_type3A_493, %exp3A_494, %dot_general3A_495 {dimension_numbers = #tpu.dot_dimension_numbers<[1], [0], [0], [1], [0, 0, 1, 1], [], []>, transpose_lhs_hint = false} : vector<32x4096xf32>, vector<4096x4xf32>, vector<32x4xf32> -> vector<32x4xf32>
    %dot_general3A_497 = arith.constant dense<0.000000e+00> : vector<4096x4xf32>
    %dot_general3A_498 = tpu.matmul %convert_element_type3A_50, %dot_general3A_496, %dot_general3A_497 {dimension_numbers = #tpu.dot_dimension_numbers<[1], [0], [0], [1], [0, 0, 1, 1], [], []>, transpose_lhs_hint = false} : vector<4096x32xf32>, vector<32x4xf32>, vector<4096x4xf32> -> vector<4096x4xf32>
    %div3A_499 = arith.divf %exp3A_494, %dot_general3A_498 : vector<4096x4xf32>
    %dot_general3A_500 = arith.constant dense<0.000000e+00> : vector<4096x256xf32>
    %dot_general3A_501 = tpu.matmul %div3A_499, %get3A_112, %dot_general3A_500 {dimension_numbers = #tpu.dot_dimension_numbers<[1], [0], [0], [1], [0, 0, 1, 1], [], []>, transpose_lhs_hint = false} : vector<4096x4xf32>, vector<4x256xf32>, vector<4096x256xf32> -> vector<4096x256xf32>
    %mul3A_502 = arith.mulf %dot_general3A_501, %dot_general3A_441 : vector<4096x256xf32>
    %dot_general3A_503 = arith.constant dense<0.000000e+00> : vector<32x256xf32>
    %dot_general3A_504 = tpu.matmul %convert_element_type3A_493, %mul3A_502, %dot_general3A_503 {dimension_numbers = #tpu.dot_dimension_numbers<[1], [0], [0], [1], [0, 0, 1, 1], [], []>, transpose_lhs_hint = false} : vector<32x4096xf32>, vector<4096x256xf32>, vector<32x256xf32> -> vector<32x256xf32>
    %get3A_505 = arith.constant 0 : index
    %get3A_506 = arith.constant 0 : index
    %get3A_507 = vector.load %arg18[%get3A_505, %get3A_506] : memref<256x128xf32, #tpu.memory_space<vmem>>, vector<256x128xf32>
    %dot_general3A_508 = arith.constant dense<0.000000e+00> : vector<32x128xf32>
    %dot_general3A_509 = tpu.matmul %dot_general3A_504, %get3A_507, %dot_general3A_508 {dimension_numbers = #tpu.dot_dimension_numbers<[1], [0], [0], [1], [0, 0, 1, 1], [], []>, transpose_lhs_hint = false} : vector<32x256xf32>, vector<256x128xf32>, vector<32x128xf32> -> vector<32x128xf32>
    %get3A_510 = arith.constant 0 : index
    %get3A_511 = arith.constant 0 : index
    %get3A_512 = vector.load %arg19[%get3A_510, %get3A_511] : memref<128x128xf32, #tpu.memory_space<vmem>>, vector<128x128xf32>
    %dot_general3A_513 = arith.constant dense<0.000000e+00> : vector<32x128xf32>
    %dot_general3A_514 = tpu.matmul %dot_general3A_509, %get3A_512, %dot_general3A_513 {dimension_numbers = #tpu.dot_dimension_numbers<[1], [0], [0], [1], [0, 0, 1, 1], [], []>, transpose_lhs_hint = false} : vector<32x128xf32>, vector<128x128xf32>, vector<32x128xf32> -> vector<32x128xf32>
    %get3A_515 = arith.constant 0 : index
    %get3A_516 = arith.constant 0 : index
    %get3A_517 = vector.load %arg2[%get3A_515, %get3A_516] : memref<32x2xf32, #tpu.memory_space<vmem>>, vector<32x2xf32>
    %get3A_518 = arith.constant 0 : index
    %get3A_519 = arith.constant 0 : index
    %get3A_520 = vector.load %arg20[%get3A_518, %get3A_519] : memref<2x128xf32, #tpu.memory_space<vmem>>, vector<2x128xf32>
    %dot_general3A_521 = arith.constant dense<0.000000e+00> : vector<32x128xf32>
    %dot_general3A_522 = tpu.matmul %get3A_517, %get3A_520, %dot_general3A_521 {dimension_numbers = #tpu.dot_dimension_numbers<[1], [0], [0], [1], [0, 0, 1, 1], [], []>, transpose_lhs_hint = false} : vector<32x2xf32>, vector<2x128xf32>, vector<32x128xf32> -> vector<32x128xf32>
    %add3A_523 = arith.addf %dot_general3A_514, %dot_general3A_522 : vector<32x128xf32>
    %get3A_524 = arith.constant 0 : index
    %get3A_525 = arith.constant 0 : index
    %get3A_526 = vector.load %arg21[%get3A_524, %get3A_525] : memref<1x128xf32, #tpu.memory_space<vmem>>, vector<1x128xf32>
    %add3A_527 = vector.broadcast %get3A_526 : vector<1x128xf32> to vector<32x128xf32>
    %add3A_528 = arith.addf %add3A_523, %add3A_527 : vector<32x128xf32>
    %reduce_sum3A_529 = arith.constant dense<0.000000e+00> : vector<32xf32>
    %reduce_sum3A_530 = vector.multi_reduction <add>, %add3A_528, %reduce_sum3A_529 [1] : vector<32x128xf32> to vector<32xf32>
    %broadcast_in_dim3A_531 = vector.shape_cast %reduce_sum3A_530 : vector<32xf32> to vector<32x1xf32>
    %div3A_532 = arith.constant 1.280000e+02 : f32
    %div3A_533 = vector.broadcast %div3A_532 : f32 to vector<32x1xf32>
    %div3A_534 = arith.divf %broadcast_in_dim3A_531, %div3A_533 : vector<32x1xf32>
    %sub3A_535 = vector.broadcast %div3A_534 : vector<32x1xf32> to vector<32x128xf32>
    %sub3A_536 = arith.subf %add3A_528, %sub3A_535 : vector<32x128xf32>
    %integer_pow3A_537 = arith.mulf %sub3A_536, %sub3A_536 : vector<32x128xf32>
    %reduce_sum3A_538 = arith.constant dense<0.000000e+00> : vector<32xf32>
    %reduce_sum3A_539 = vector.multi_reduction <add>, %integer_pow3A_537, %reduce_sum3A_538 [1] : vector<32x128xf32> to vector<32xf32>
    %broadcast_in_dim3A_540 = vector.shape_cast %reduce_sum3A_539 : vector<32xf32> to vector<32x1xf32>
    %div3A_541 = arith.constant 1.280000e+02 : f32
    %div3A_542 = vector.broadcast %div3A_541 : f32 to vector<32x1xf32>
    %div3A_543 = arith.divf %broadcast_in_dim3A_540, %div3A_542 : vector<32x1xf32>
    %sub3A_544 = vector.broadcast %div3A_534 : vector<32x1xf32> to vector<32x128xf32>
    %sub3A_545 = arith.subf %add3A_528, %sub3A_544 : vector<32x128xf32>
    %add3A_546 = arith.constant 9.99999974E-6 : f32
    %add3A_547 = vector.broadcast %add3A_546 : f32 to vector<32x1xf32>
    %add3A_548 = arith.addf %div3A_543, %add3A_547 : vector<32x1xf32>
    %sqrt3A_549 = math.sqrt %add3A_548 : vector<32x1xf32>
    %div3A_550 = vector.broadcast %sqrt3A_549 : vector<32x1xf32> to vector<32x128xf32>
    %div3A_551 = arith.divf %sub3A_545, %div3A_550 : vector<32x128xf32>
    %get3A_552 = arith.constant 0 : index
    %get3A_553 = arith.constant 0 : index
    %get3A_554 = vector.load %arg22[%get3A_552, %get3A_553] : memref<1x128xf32, #tpu.memory_space<vmem>>, vector<1x128xf32>
    %mul3A_555 = vector.broadcast %get3A_554 : vector<1x128xf32> to vector<32x128xf32>
    %mul3A_556 = arith.mulf %div3A_551, %mul3A_555 : vector<32x128xf32>
    %get3A_557 = arith.constant 0 : index
    %get3A_558 = arith.constant 0 : index
    %get3A_559 = vector.load %arg23[%get3A_557, %get3A_558] : memref<1x128xf32, #tpu.memory_space<vmem>>, vector<1x128xf32>
    %add3A_560 = vector.broadcast %get3A_559 : vector<1x128xf32> to vector<32x128xf32>
    %add3A_561 = arith.addf %mul3A_556, %add3A_560 : vector<32x128xf32>
    %max3A_562 = arith.constant 0.000000e+00 : f32
    %max3A_563 = vector.broadcast %max3A_562 : f32 to vector<32x128xf32>
    %max3A_564 = arith.maximumf %add3A_561, %max3A_563 : vector<32x128xf32>
    %swap3A = arith.constant 0 : index
    %swap3A_565 = arith.constant 0 : index
    %swap3A_566 = vector.load %arg30[%swap3A, %swap3A_565] : memref<32x128xf32, #tpu.memory_space<vmem>>, vector<32x128xf32>
    tpu.vector_store %arg30[%swap3A, %swap3A_565], %max3A_564 {strides = array<i32>} : memref<32x128xf32, #tpu.memory_space<vmem>>, vector<32x128xf32>,
    return
  }
  func.func @transform_0(%arg0: i32) -> (i32, i32) {
    %c0_i32 = arith.constant 0 : i32
    %c0_i32_0 = arith.constant 0 : i32
    return %arg0, %c0_i32 : i32, i32
  }
  func.func @transform_1(%arg0: i32) -> (i32, i32) {
    %c0_i32 = arith.constant 0 : i32
    %c0_i32_0 = arith.constant 0 : i32
    return %arg0, %c0_i32 : i32, i32
  }
  func.func @transform_2(%arg0: i32) -> (i32, i32) {
    %c0_i32 = arith.constant 0 : i32
    %c0_i32_0 = arith.constant 0 : i32
    %c0_i32_1 = arith.constant 0 : i32
    return %c0_i32, %c0_i32_0 : i32, i32
  }
  func.func @transform_3(%arg0: i32) -> (i32, i32) {
    %c0_i32 = arith.constant 0 : i32
    %c0_i32_0 = arith.constant 0 : i32
    %c0_i32_1 = arith.constant 0 : i32
    return %c0_i32, %c0_i32_0 : i32, i32
  }
  func.func @transform_4(%arg0: i32) -> (i32, i32) {
    %c0_i32 = arith.constant 0 : i32
    %c0_i32_0 = arith.constant 0 : i32
    %c0_i32_1 = arith.constant 0 : i32
    return %c0_i32, %c0_i32_0 : i32, i32
  }
  func.func @transform_5(%arg0: i32) -> (i32, i32) {
    %c0_i32 = arith.constant 0 : i32
    %c0_i32_0 = arith.constant 0 : i32
    %c0_i32_1 = arith.constant 0 : i32
    return %c0_i32, %c0_i32_0 : i32, i32
  }
  func.func @transform_6(%arg0: i32) -> (i32, i32) {
    %c0_i32 = arith.constant 0 : i32
    %c0_i32_0 = arith.constant 0 : i32
    %c0_i32_1 = arith.constant 0 : i32
    return %c0_i32, %c0_i32_0 : i32, i32
  }
  func.func @transform_7(%arg0: i32) -> (i32, i32) {
    %c0_i32 = arith.constant 0 : i32
    %c0_i32_0 = arith.constant 0 : i32
    %c0_i32_1 = arith.constant 0 : i32
    return %c0_i32, %c0_i32_0 : i32, i32
  }
  func.func @transform_8(%arg0: i32) -> (i32, i32) {
    %c0_i32 = arith.constant 0 : i32
    %c0_i32_0 = arith.constant 0 : i32
    %c0_i32_1 = arith.constant 0 : i32
    return %c0_i32, %c0_i32_0 : i32, i32
  }
  func.func @transform_9(%arg0: i32) -> (i32, i32) {
    %c0_i32 = arith.constant 0 : i32
    %c0_i32_0 = arith.constant 0 : i32
    %c0_i32_1 = arith.constant 0 : i32
    return %c0_i32, %c0_i32_0 : i32, i32
  }
  func.func @transform_10(%arg0: i32) -> (i32, i32) {
    %c0_i32 = arith.constant 0 : i32
    %c0_i32_0 = arith.constant 0 : i32
    %c0_i32_1 = arith.constant 0 : i32
    return %c0_i32, %c0_i32_0 : i32, i32
  }
  func.func @transform_11(%arg0: i32) -> (i32, i32) {
    %c0_i32 = arith.constant 0 : i32
    %c0_i32_0 = arith.constant 0 : i32
    %c0_i32_1 = arith.constant 0 : i32
    return %c0_i32, %c0_i32_0 : i32, i32
  }
  func.func @transform_12(%arg0: i32) -> (i32, i32) {
    %c0_i32 = arith.constant 0 : i32
    %c0_i32_0 = arith.constant 0 : i32
    %c0_i32_1 = arith.constant 0 : i32
    return %c0_i32, %c0_i32_0 : i32, i32
  }
  func.func @transform_13(%arg0: i32) -> (i32, i32) {
    %c0_i32 = arith.constant 0 : i32
    %c0_i32_0 = arith.constant 0 : i32
    %c0_i32_1 = arith.constant 0 : i32
    return %c0_i32, %c0_i32_0 : i32, i32
  }
  func.func @transform_14(%arg0: i32) -> (i32, i32) {
    %c0_i32 = arith.constant 0 : i32
    %c0_i32_0 = arith.constant 0 : i32
    %c0_i32_1 = arith.constant 0 : i32
    return %c0_i32, %c0_i32_0 : i32, i32
  }
  func.func @transform_15(%arg0: i32) -> (i32, i32) {
    %c0_i32 = arith.constant 0 : i32
    %c0_i32_0 = arith.constant 0 : i32
    %c0_i32_1 = arith.constant 0 : i32
    return %c0_i32, %c0_i32_0 : i32, i32
  }
  func.func @transform_16(%arg0: i32) -> (i32, i32) {
    %c0_i32 = arith.constant 0 : i32
    %c0_i32_0 = arith.constant 0 : i32
    %c0_i32_1 = arith.constant 0 : i32
    return %c0_i32, %c0_i32_0 : i32, i32
  }
  func.func @transform_17(%arg0: i32) -> (i32, i32) {
    %c0_i32 = arith.constant 0 : i32
    %c0_i32_0 = arith.constant 0 : i32
    %c0_i32_1 = arith.constant 0 : i32
    return %c0_i32, %c0_i32_0 : i32, i32
  }
  func.func @transform_18(%arg0: i32) -> (i32, i32) {
    %c0_i32 = arith.constant 0 : i32
    %c0_i32_0 = arith.constant 0 : i32
    %c0_i32_1 = arith.constant 0 : i32
    return %c0_i32, %c0_i32_0 : i32, i32
  }
  func.func @transform_19(%arg0: i32) -> (i32, i32) {
    %c0_i32 = arith.constant 0 : i32
    %c0_i32_0 = arith.constant 0 : i32
    %c0_i32_1 = arith.constant 0 : i32
    return %c0_i32, %c0_i32_0 : i32, i32
  }
  func.func @transform_20(%arg0: i32) -> (i32, i32) {
    %c0_i32 = arith.constant 0 : i32
    %c0_i32_0 = arith.constant 0 : i32
    %c0_i32_1 = arith.constant 0 : i32
    return %c0_i32, %c0_i32_0 : i32, i32
  }
  func.func @transform_21(%arg0: i32) -> (i32, i32) {
    %c0_i32 = arith.constant 0 : i32
    %c0_i32_0 = arith.constant 0 : i32
    %c0_i32_1 = arith.constant 0 : i32
    return %c0_i32, %c0_i32_0 : i32, i32
  }
  func.func @transform_22(%arg0: i32) -> (i32, i32) {
    %c0_i32 = arith.constant 0 : i32
    %c0_i32_0 = arith.constant 0 : i32
    %c0_i32_1 = arith.constant 0 : i32
    return %c0_i32, %c0_i32_0 : i32, i32
  }
  func.func @transform_23(%arg0: i32) -> (i32, i32) {
    %c0_i32 = arith.constant 0 : i32
    %c0_i32_0 = arith.constant 0 : i32
    %c0_i32_1 = arith.constant 0 : i32
    return %c0_i32, %c0_i32_0 : i32, i32
  }
  func.func @transform_24(%arg0: i32) -> (i32, i32) {
    %c0_i32 = arith.constant 0 : i32
    %c0_i32_0 = arith.constant 0 : i32
    %c0_i32_1 = arith.constant 0 : i32
    return %c0_i32, %c0_i32_0 : i32, i32
  }
  func.func @transform_25(%arg0: i32) -> (i32, i32) {
    %c0_i32 = arith.constant 0 : i32
    %c0_i32_0 = arith.constant 0 : i32
    %c0_i32_1 = arith.constant 0 : i32
    return %c0_i32, %c0_i32_0 : i32, i32
  }
  func.func @transform_26(%arg0: i32) -> (i32, i32) {
    %c0_i32 = arith.constant 0 : i32
    %c0_i32_0 = arith.constant 0 : i32
    %c0_i32_1 = arith.constant 0 : i32
    return %c0_i32, %c0_i32_0 : i32, i32
  }
  func.func @transform_27(%arg0: i32) -> (i32, i32) {
    %c0_i32 = arith.constant 0 : i32
    %c0_i32_0 = arith.constant 0 : i32
    %c0_i32_1 = arith.constant 0 : i32
    return %c0_i32, %c0_i32_0 : i32, i32
  }
  func.func @transform_28(%arg0: i32) -> (i32, i32) {
    %c0_i32 = arith.constant 0 : i32
    %c0_i32_0 = arith.constant 0 : i32
    %c0_i32_1 = arith.constant 0 : i32
    return %c0_i32, %c0_i32_0 : i32, i32
  }
  func.func @transform_29(%arg0: i32) -> (i32, i32) {
    %c0_i32 = arith.constant 0 : i32
    %c0_i32_0 = arith.constant 0 : i32
    return %arg0, %c0_i32 : i32, i32
  }
}

</mosaic_0001>

<sc_bundles>
// kernel: kernel.5.cloned.1.call-start
scs
__scs_entry_jumppad:
0x0: {  	(pc) =	sbr.rel $0x88, $3  }
0x1: {  	(tag) =	ssettag $0x0;
	lr =	simm.s32 $0x1  }
0x2: {  	[smem:$0x3F7A] =	sst lr;
	_ =	strace $0xD0000000  }
0x3: {  	_ = 	snop  }
0x4: {  	_ = 	snop  }
0x5: {  	_ = 	snop  }
0x6: {  	_ = 	snop  }
0x7: {  	_ = 	snop  }
__scs_overlays_trampoline_lowered:
0x8: {  	[smem:$0x3F89] =	sst s0  }
0x9: {  	[smem:$0x3F8A] =	sst s1  }
0xa: {  	[smem:$0x3F8B] =	sst s2  }
0xb: {  	[smem:$0x3F8C] =	sst s3  }
0xc: {  	[smem:$0x3F8D] =	sst s4  }
0xd: {  	[smem:$0x3F8E] =	sst s5  }
0xe: {  	[smem:$0x3F8F] =	sst s6  }
0xf: {  	[smem:$0x3F90] =	sst s7  }
0x10: {  	[smem:$0x3F91] =	sst s8  }
0x11: {  	[smem:$0x3F92] =	sst s9;
	s0 =	simm.s32 @!p0 $0x0  }
0x12: {  	s1 =	sld [smem:$0x3F78];
	s0 =	simm.s32 @p0 $0x1  }
0x13: {  	[smem:$0x3F93] =	sst s0;
	s0 =	simm.s32 @!p1 $0x0  }
0x14: {  	s2 =	sld [smem:$0x3F77];
	s0 =	simm.s32 @p1 $0x1  }
0x15: {  	[smem:$0x3F94] =	sst s0;
	s0 =	simm.s32 @!p2 $0x0  }
0x16: {  	s3 =	sld [smem:$0x3FDB];
	s0 =	simm.s32 @p2 $0x1  }
0x17: {  	s4 =	simm.s32 $0x1BF5;
	[smem:$0x3F96] =	sst s0  }
0x18: {  	s0 =	sld [smem:$0x3F79];
	_ =	swait.ge [sflag:s4], $0x0  }
0x19: {  	s7 =	sld [smem:$0x3F7A]  }
0x1a: {  	s8 =	sadd.s32 $0xFFFFE003, lr  }
0x1b: {  	s9 =	sadd.s32 $0xFFFFFEF7, lr;
	s5 =	simm.s32 $0xFFFFFFFF;
	p2 =	slt.u32 s8, $0xFFFFF086  }
0x1c: {  	p1 =	slt.u32 s9, $0xF7A;
	s5 =	simm.s32 @!p2 $0x0  }
0x1d: {  	s5 =	simm.s32 @p1 $0x1;
	p0 =	seq.s32 s7, s2  }
0x1e: {  	s7 =	smul.u32 @!p0 $0xF7A, s2;
	p2 =	seq.s32 @!p0 s5, $0x0  }
0x1f: {  	s9 =	smul.u32 $0xF7A, s1;
	s8 =	simm.s32 @!p0 $0x1BF5;
	p2 =	por !p2, p0  }
0x20: {  	[sflag:s8] =	ssyncset.s32 @!p0 $0xFFFFF086;
	s6 =	sadd.s32 @!p0 s3, s7;
	s7 =	simm.s32 @!p0 $0x108  }
0x21: {  	s3 =	sadd.s32 s3, s9;
	s6 =	sadd.s32 @!p0 $0x88, s6;
	s7 =	simm.s32 @p2 $0x1082  }
0x22: {  	[simem:s7], [sflag:s8] =	dma.local @!p0 [hbm:s6], $0xF7A  }
0x23: {  	s9 =	sor.u32 $0xD0000000, s2;
	s6 =	simm.s32 $0x108;
	_ =	swait.ge @!p0 [sflag:s8], $0x0  }
0x24: {  	s3 =	sadd.s32 $0x88, s3;
	s6 =	simm.s32 @!p1 $0x1082;
	[sflag:s4] =	ssyncset.s32 $0xFFFFF086  }
0x25: {  	[simem:s6], [sflag:s4] =	dma.local [hbm:s3], $0xF7A  }
0x26: {  	[smem:$0x3F7A] =	sst s1;
	(tag) =	ssettag s2;
	_ =	strace s9  }
0x27: {  	s1 =	sld [smem:$0x3F8A]  }
0x28: {  	s2 =	sld [smem:$0x3F8B]  }
0x29: {  	s4 =	sld [smem:$0x3F8D]  }
0x2a: {  	p0 =	seq.s32 s5, $0x0;
	s5 =	sld [smem:$0x3F8E]  }
0x2b: {  	s6 =	sld [smem:$0x3F8F]  }
0x2c: {  	s7 =	sld [smem:$0x3F90]  }
0x2d: {  	s3 =	simm.s32 $0x108;
	s8 =	sld [smem:$0x3F91]  }
0x2e: {  	s3 =	simm.s32 @!p0 $0x1082;
	s9 =	sld [smem:$0x3F92]  }
0x2f: {  	lr =	sadd.s32 s0, s3;
	s0 =	sld [smem:$0x3F89]  }
0x30: {  	s3 =	sld [smem:$0x3F8C]  }
0x31: {  	[smem:$0x3F95] =	sst s10  }
0x32: {  	s10 =	sld [smem:$0x3F93];
	_ =	sdelay $0x3  }
0x33: {  	p0 =	seq.s32 s10, $0x1;
	s10 =	sld [smem:$0x3F95];
	_ =	sdelay $0x3  }
0x34: {  	[smem:$0x3F95] =	sst s10  }
0x35: {  	s10 =	sld [smem:$0x3F94];
	_ =	sdelay $0x3  }
0x36: {  	p1 =	seq.s32 s10, $0x1;
	s10 =	sld [smem:$0x3F95];
	_ =	sdelay $0x3  }
0x37: {  	[smem:$0x3F95] =	sst s10  }
0x38: {  	s10 =	sld [smem:$0x3F96]  }
0x39: {  	_ = 	snop;
	(pc) =	sbr.ind lr, $3  }
0x3a: {  	_ = 	snop  }
0x3b: {  	_ = 	snop  }
0x3c: {  	p2 =	seq.s32 s10, $0x1;
	s10 =	sld [smem:$0x3F95]  }
0x3d: {  	_ =	shalt  }
0x3e: {  	_ =	shalt  }
0x3f: {  	_ =	shalt  }
0x40: {  	_ =	shalt  }
0x41: {  	_ =	shalt  }
0x42: {  	_ =	shalt  }
0x43: {  	_ =	shalt  }
0x44: {  	_ =	shalt  }
0x45: {  	_ =	shalt  }
0x46: {  	_ =	shalt  }
0x47: {  	_ =	shalt  }
0x48: {  	_ =	shalt  }
0x49: {  	_ =	shalt  }
0x4a: {  	_ =	shalt  }
0x4b: {  	_ =	shalt  }
0x4c: {  	_ =	shalt  }
0x4d: {  	_ =	shalt  }
0x4e: {  	_ =	shalt  }
0x4f: {  	_ =	shalt  }
0x50: {  	_ =	shalt  }
0x51: {  	_ =	shalt  }
0x52: {  	_ =	shalt  }
0x53: {  	_ =	shalt  }
0x54: {  	_ =	shalt  }
0x55: {  	_ =	shalt  }
0x56: {  	_ =	shalt  }
0x57: {  	_ =	shalt  }
0x58: {  	_ =	shalt  }
0x59: {  	_ =	shalt  }
0x5a: {  	_ =	shalt  }
0x5b: {  	_ =	shalt  }
0x5c: {  	_ =	shalt  }
0x5d: {  	_ =	shalt  }
0x5e: {  	_ =	shalt  }
0x5f: {  	_ =	shalt  }
0x60: {  	_ =	shalt  }
0x61: {  	_ =	shalt  }
0x62: {  	_ =	shalt  }
0x63: {  	_ =	shalt  }
0x64: {  	_ =	shalt  }
0x65: {  	_ =	shalt  }
0x66: {  	_ =	shalt  }
0x67: {  	_ =	shalt  }
0x68: {  	_ =	shalt  }
0x69: {  	_ =	shalt  }
0x6a: {  	_ =	shalt  }
0x6b: {  	_ =	shalt  }
0x6c: {  	_ =	shalt  }
0x6d: {  	_ =	shalt  }
0x6e: {  	_ =	shalt  }
0x6f: {  	_ =	shalt  }
0x70: {  	_ =	shalt  }
0x71: {  	_ =	shalt  }
0x72: {  	_ =	shalt  }
0x73: {  	_ =	shalt  }
0x74: {  	_ =	shalt  }
0x75: {  	_ =	shalt  }
0x76: {  	_ =	shalt  }
0x77: {  	_ =	shalt  }
0x78: {  	_ =	shalt  }
0x79: {  	_ =	shalt  }
0x7a: {  	_ =	shalt  }
0x7b: {  	_ =	shalt  }
0x7c: {  	_ =	shalt  }
0x7d: {  	_ =	shalt  }
0x7e: {  	_ =	shalt  }
0x7f: {  	_ =	shalt  }
0x80: {  	_ =	shalt  }
0x81: {  	_ =	shalt  }
0x82: {  	_ =	shalt  }
0x83: {  	_ =	shalt  }
0x84: {  	_ =	shalt  }
0x85: {  	_ =	shalt  }
0x86: {  	_ =	shalt  }
0x87: {  	_ =	shalt  }
.Lfunc_end0:
.L_simem_size_0:
called_computation_lowered:
.L_overlay_start_0:
0x88: {  	s2 =	sld [smem:$0x3FD9]  }
0x89: {  	s3 =	sld [smem:$0x3FFE];
	_ =	sdelay $0x1  }
0x8a: {  	s1 =	srdreg.scid  }
0x8b: {  	s0 =	sand.u32 $0x1, s1  }
0x8c: {  	s17 =	sshll.u32 s0, $0xA;
	s2 =	sadd.s32 s3, s2  }
0x8d: {  	s2 =	sadd.s32 s2, s17  }
0x8e: {  	[smem:$0x3FA1] =	sst s2  }
0x8f: {  	_ = 	snop  }
0x90: {  	s2 =	sld [smem:$0x3FC9]  }
0x91: {  	s18 =	sld [smem:$0x3FA3];
	(tm) =	ssettm $0x1  }
0x92: {  	s4 =	sld [smem:$0x3FFB];
	_ =	sdelay $0x3  }
0x93: {  	_ =	strace s4  }
0x94: {  	s4 =	sld [smem:$0x3FFC];
	_ =	sdelay $0x3  }
0x95: {  	_ =	strace s4  }
0x96: {  	s4 =	sld [smem:$0x3FFD];
	_ =	sdelay $0x3  }
0x97: {  	_ =	strace s4  }
0x98: {  	_ =	strace $0x8FFFFFFF  }
0x99: {  	s19 =	sld [smem:$0x3FDB];
	_ =	sdelay $0x1  }
0x9a: {  	s5 =	simm.s32 $_scs_section_size  }
0x9b: {  	s6 =	simm.s32 $_size__tile_overlayer_lowered;
	s7 =	simm.s32 $_tile_overlayer_lowered  }
0x9c: {  	s22 =	simm.s32 $0x1BFF;
	s21 =	sshll.u32 s7, $0x1;
	s4 =	sadd.s32 s5, s19  }
0x9d: {  	s8 =	simm.s32 $0x0;
	s20 =	sshll.u32 s6, $0x1;
	s6 =	sadd.s32 s21, s4  }
0x9e: {  	[timem:s8], [sflag:s22] =	dma.local [hbm:s6], s20  }
0x9f: {  	_ =	swait.ge [sflag:s22], s20  }
0xa0: {  	s5 =	ssub.s32 $0x0, s20;
	[sflag:s22] =	ssyncset.done $0x0  }
0xa1: {  	[sflag:s22] =	ssyncadd.s32 s5;
	_ =	sdelay $0x1  }
0xa2: {  	s23 =	simm.s32 $0x1B8B  }
0xa3: {  	_ =	swait.ge [sflag:s23], $0x1  }
0xa4: {  	[sflag:s23] =	ssyncset.done $0x0  }
0xa5: {  	s25 =	simm.s32 $0x1B8E;
	s24 =	sld [smem:$0x3FFE];
	[sflag:s23] =	ssyncadd.s32 $0xFFFFFFFF  }
0xa6: {  	s26 =	simm.s32 $execute0_lowered;
	[smem:$0x3FD2] =	sst s25  }
0xa7: {  	s6 =	sshll.u32 s26, $0x1;
	_ =	strace $0x80000046;
	[dreg:$0x1] =	wrdreg $0xFFFFFFFF  }
0xa8: {  	s28 =	simm.s32 $_size_execute0_lowered;
	s4 =	sadd.s32 s4, s6;
	[dreg:$0x0] =	wrdreg $0x0  }
0xa9: {  	s6 =	sshll.u32 s28, $0x1;
	[dreg:$0x2] =	wrdreg s4  }
0xaa: {  	[dreg:$0x3] =	wrdreg s6  }
0xab: {  	[dreg:$0x4] =	wrdreg $0xC0  }
0xac: {  	_ =	task [dreg:s8], $0x5FFFF  }
0xad: {  	[dreg:$0x1] =	wrdreg $0xFFFFFFFF  }
0xae: {  	[dreg:$0x0] =	wrdreg $0x60  }
0xaf: {  	[dreg:$0x2] =	wrdreg s18  }
0xb0: {  	[dreg:$0x3] =	wrdreg s2  }
0xb1: {  	[dreg:$0x4] =	wrdreg s24  }
0xb2: {  	[dreg:$0x5] =	wrdreg $0x9  }
0xb3: {  	_ =	task.clear_ibuf [dreg:s8], $0x6FFFF;
	_ =	strace $0x90000046  }
0xb4: {  	s29 =	simm.s32 $0x9;
	_ =	strace $0x80000048  }
0xb5: {  	_ =	swait.ge [sflag:s29], $0x1  }
0xb6: {  	[sflag:s29] =	ssyncadd.s32 $0xFFFFFFFF  }
0xb7: {  	_ =	strace $0x90000048  }
0xb8: {  	_ =	sfence  }
0xb9: {  	s30 =	sld [smem:$0x0];
	_ =	sdelay $0x2  }
0xba: {  	s31 =	sshll.u32 s1, $0xD;
	s1 =	sshrl.u32 s1, $0x2  }
0xbb: {  	s3 =	sand.u32 $0x4000, s31;
	s1 =	sadd.s32 s1, s30  }
0xbc: {  	s0 =	sor.u32 s3, s0;
	s1 =	sshll.u32 s1, $0x11  }
0xbd: {  	s0 =	sor.u32 s1, s0  }
0xbe: {  	s0 =	sadd.s32 $0x8F2B, s0  }
0xbf: {  	[sflag:s0] =	ssyncadd.remote.s32 $0x1  }
0xc0: {  	_ =	sfence.sel $0xFFFF  }
0xc1: {  	[dreg:$0x0] =	wrdreg $0xFFFFFFFF;
	(pc) =	sbr.abs _section_cstart, $3  }
0xc2: {  	[dreg:$0x1] =	wrdreg $0xFFFFFFFF  }
0xc3: {  	_ =	task.clear_ibuf [dreg:s8], $0x2FFFF;
	_ =	strace $0x9FFFFFFF  }
0xc4: {  	(tm) =	ssettm $0x7FFFFFFF  }
0xc5: {  	_ =	shalt  }
tec
execute0_lowered:
.L_overlay_start_1:
0x0: {  	(tag) =	ssettag $0x1  }
0x1: {  	s1 =	rddreg [dreg:$0x0];
	s2 =	srdreg.scid  }
0x2: {  	s9 =	rddreg [dreg:$0x1];
	s0 =	stileid.u32;
	s10 =	sand.u32 $0x1, s2  }
0x3: {  	s8 =	rddreg [dreg:$0x2];
	s4 =	sshll.u32 s0, $0xB;
	s5 =	sshll.u32 s10, $0xA  }
0x4: {  	s3 =	simm.s32 $0x0;
	s2 =	rddreg [dreg:$0x3];
	s11 =	sor.u32 s5, s4  }
0x5: {  	[smem:$0x7FF] =	sst s3;
	s4 =	sshrl.u32 s11, $0x3  }
0x6: {  	_ =	strace $0x80000047;
	s5 =	sadd.s32 s9, s4;
	s4 =	simm.s32 $0x2  }
0x7: {  	[tilespmem:s3], [sflag:$0x2] =	stream.linear.gather [hbm4b:s5+s3], $0x200, $0x38;
	[tilespmem:$0x10200] =	vst v63  }
0x8: {  	_ =	swait.ge [sflag:s4], $0x200  }
0x9: {  	[sflag:s4] =	ssyncset.done $0x0  }
0xa: {  	s6 =	simm.s32 $0x200;
	s7 =	simm.s32 $0x1;
	[sflag:s4] =	ssyncadd.s32 $0xFFFFFE00  }
0xb: {  	[tilespmem:s6], [sflag:$0x1] =	stream.indirect.gather [hbm4b:s1+s6], $0x80, s3, s6, $0xb8;
	[tilespmem:$0x10200] =	vst v63  }
0xc: {  	_ =	swait.ge [sflag:s7], $0x10000  }
0xd: {  	s12 =	sadd.s32 $0x5C00, s8;
	s28 =	sshll.u32 s11, $0x4;
	[sflag:s7] =	ssyncset.done $0x0  }
0xe: {  	s8 =	sadd.s32 s12, s28;
	[sflag:s7] =	ssyncadd.s32 $0xFFFF0000  }
0xf: {  	[hbm4b:s8+s3] =	stream.linear.scatter [tilespmem:s6], [sflag:$0x2], $0x10000, $0x38;
	[tilespmem:$0x10200] =	vst v63  }
0x10: {  	s11 =	sor.u32 $0x200, s11;
	_ =	swait.ge [sflag:s4], $0x10000  }
0x11: {  	s13 =	sshrl.u32 s11, $0x3;
	[sflag:s4] =	ssyncset.done $0x0  }
0x12: {  	s10 =	ssub.s32 $0x2, s10;
	s9 =	sadd.s32 s9, s13;
	[sflag:s4] =	ssyncadd.s32 $0xFFFF0000  }
0x13: {  	[tilespmem:s3], [sflag:$0x2] =	stream.linear.gather [hbm4b:s9+s3], $0x200, $0x38;
	[tilespmem:$0x10200] =	vst v63  }
0x14: {  	s29 =	sshrl.u32 s10, $0x1;
	_ =	swait.ge [sflag:s4], $0x200  }
0x15: {  	s13 =	ssub.s32 s10, s29;
	[sflag:s4] =	ssyncset.done $0x0  }
0x16: {  	s31 =	smax.u32 s13, $0x1;
	[sflag:s4] =	ssyncadd.s32 $0xFFFFFE00  }
0x17: {  	[tilespmem:s6], [sflag:$0x1] =	stream.indirect.gather [hbm4b:s1+s6], $0x80, s3, s6, $0xb8;
	[tilespmem:$0x10200] =	vst v63  }
0x18: {  	p0 =	sne.s32 s31, $0x1;
	_ =	swait.ge [sflag:s7], $0x10000  }
.Ltmp0:
0x19: {  	s30 =	sshll.u32 s11, $0x4;
	[sflag:s7] =	ssyncset.done $0x0;
	(pc) =	sbr.rel @!p0 .LBB2_2-.Ltmp0, $4  }
0x1a: {  	s10 =	sadd.s32 s12, s30;
	[sflag:s7] =	ssyncadd.s32 $0xFFFF0000  }
0x1b: {  	[hbm4b:s10+s3] =	stream.linear.scatter [tilespmem:s6], [sflag:$0x2], $0x10000, $0x38;
	[tilespmem:$0x10200] =	vst v63  }
0x1c: {  	_ =	swait.ge [sflag:s4], $0x10000  }
0x1d: {  	s11 =	sadd.s32 $0xFFFFFFFF, s31;
	[sflag:s4] =	ssyncset.done $0x0  }
.LBB2_1:
0x1e: {  	p0 =	sne.s32 s11, $0x1;
	s11 =	sadd.s32 $0xFFFFFFFF, s11;
	[sflag:s4] =	ssyncadd.s32 $0xFFFF0000  }
0x1f: {  	[tilespmem:s3], [sflag:$0x2] =	stream.linear.gather [hbm4b:s5+s3], $0x200, $0x38;
	[tilespmem:$0x10200] =	vst v63  }
0x20: {  	_ =	swait.ge [sflag:s4], $0x200  }
0x21: {  	[sflag:s4] =	ssyncset.done $0x0  }
0x22: {  	[sflag:s4] =	ssyncadd.s32 $0xFFFFFE00  }
0x23: {  	[tilespmem:s6], [sflag:$0x1] =	stream.indirect.gather [hbm4b:s1+s6], $0x80, s3, s6, $0xb8;
	[tilespmem:$0x10200] =	vst v63  }
0x24: {  	_ =	swait.ge [sflag:s7], $0x10000  }
0x25: {  	[sflag:s7] =	ssyncset.done $0x0  }
0x26: {  	[sflag:s7] =	ssyncadd.s32 $0xFFFF0000  }
0x27: {  	[hbm4b:s8+s3] =	stream.linear.scatter [tilespmem:s6], [sflag:$0x2], $0x10000, $0x38;
	[tilespmem:$0x10200] =	vst v63  }
0x28: {  	_ =	swait.ge [sflag:s4], $0x10000  }
0x29: {  	[sflag:s4] =	ssyncset.done $0x0  }
0x2a: {  	[sflag:s4] =	ssyncadd.s32 $0xFFFF0000  }
0x2b: {  	[tilespmem:s3], [sflag:$0x2] =	stream.linear.gather [hbm4b:s9+s3], $0x200, $0x38;
	[tilespmem:$0x10200] =	vst v63  }
0x2c: {  	_ =	swait.ge [sflag:s4], $0x200  }
0x2d: {  	[sflag:s4] =	ssyncset.done $0x0  }
0x2e: {  	[sflag:s4] =	ssyncadd.s32 $0xFFFFFE00  }
0x2f: {  	[tilespmem:s6], [sflag:$0x1] =	stream.indirect.gather [hbm4b:s1+s6], $0x80, s3, s6, $0xb8;
	[tilespmem:$0x10200] =	vst v63  }
0x30: {  	_ =	swait.ge [sflag:s7], $0x10000  }
.Ltmp1:
0x31: {  	[sflag:s7] =	ssyncset.done $0x0;
	(pc) =	sbr.rel @p0 .LBB2_1-.Ltmp1, $4  }
0x32: {  	[sflag:s7] =	ssyncadd.s32 $0xFFFF0000  }
0x33: {  	[hbm4b:s10+s3] =	stream.linear.scatter [tilespmem:s6], [sflag:$0x2], $0x10000, $0x38;
	[tilespmem:$0x10200] =	vst v63  }
0x34: {  	_ =	swait.ge [sflag:s4], $0x10000  }
0x35: {  	[sflag:s4] =	ssyncset.done $0x0  }
.LBB2_2:
0x36: {  	[sflag:s4] =	ssyncadd.s32 $0xFFFF0000  }
0x37: {  	_ =	sfence.sel $0x180000  }
0x38: {  	[bflag:$0x0] =	sbarrier.arrive $0xFFFF  }
0x39: {  	p0 =	sne.s32 s0, $0x0;
	_ =	strace $0x90000047  }
0x3a: {  	s0 =	sadd.s32 @!p0 $0x100000, s2;
	[bflag:$0x2] =	sbarrier.arrive $0xFFFF  }
0x3b: {  	[sflag:s0] =	ssyncadd.tile.s32 @!p0 $0x1;
	_ =	shalt  }
.Lfunc_end2:
_tile_overlayer_lowered:
.L_overlay_start_2:
0x3c: {  	(tag) =	ssettag $0x2  }
0x3d: {  	s0 =	rddreg [dreg:$0x0];
	s2 =	stileid.u32  }
0x3e: {  	s1 =	rddreg [dreg:$0x1];
	p0 =	sne.s32 s2, $0x0  }
0x3f: {  	s3 =	rddreg [dreg:$0x2];
	[bflag:$0x3] =	sbarrier.arrive $0xFFFF;
	s2 =	simm.s32 @!p0 $0x1C02  }
0x40: {  	[timem:s3], [sflag:s2] =	dma.local @!p0 [hbm:s0], s1  }
0x41: {  	s0 =	simm.s32 @!p0 $0x2  }
0x42: {  	_ =	swait.ge @!p0 [sflag:s0], s1  }
0x43: {  	s1 =	ssub.s32 @!p0 $0x0, s1;
	[sflag:s0] =	ssyncset.done @!p0 $0x0  }
0x44: {  	[sflag:s0] =	ssyncadd.s32 @!p0 s1  }
0x45: {  	[bflag:$0x3] =	sbarrier.arrive $0xFFFF  }
0x46: {  	_ =	shalt  }

</sc_bundles>
